<compile_context>
chip_gen: v7x
topology: tpu7x:2x2x1
jax: 0.10.2.dev20260603
libtpu: 0.0.44.dev20260713+nightly
codegen_flags: <defaults>
</compile_context>

<pallas_src>
import functools

import jax
import jax.numpy as jnp
from jax import lax
from jax.experimental import pallas as pl
from jax.experimental.pallas import tpu as pltpu
from jax.experimental.pallas import tpu_sc as plsc

_ROWS = 2 * 8192
_COLS = 4096
_BLOCK_ROWS = 512

_NSC = (_ROWS // 4) * _COLS
_NW = 32
_PER_W = _NSC // _NW
_CHUNK = 16384
_G = _PER_W // _CHUNK
_NBUF = 4

_mesh = plsc.VectorSubcoreMesh(core_axis_name="c", subcore_axis_name="s")


@functools.partial(
    pl.kernel,
    mesh=_mesh,
    out_type=jax.ShapeDtypeStruct((_NSC,), jnp.float32),
    compiler_params=pltpu.CompilerParams(skip_device_barrier=True),
    scratch_types=[
        pltpu.VMEM((_NBUF, _CHUNK), jnp.float32),
        pltpu.SemaphoreType.DMA((_NBUF,)),
        pltpu.SemaphoreType.DMA((_NBUF,)),
    ],
)
def _sc_copy(in_hbm, out_hbm, bufs, lsem, ssem):
    wid = lax.axis_index("s") * 2 + lax.axis_index("c")
    base = wid * _PER_W

    for b in range(_NBUF):
        pltpu.make_async_copy(
            in_hbm.at[pl.ds(base + b * _CHUNK, _CHUNK)], bufs.at[b], lsem.at[b]
        ).start()

    def outer(g0, carry):
        for b in range(_NBUF):
            g = g0 * _NBUF + b
            off = base + g * _CHUNK
            pltpu.make_async_copy(
                in_hbm.at[pl.ds(off, _CHUNK)], bufs.at[b], lsem.at[b]
            ).wait()
            pltpu.make_async_copy(
                bufs.at[b], out_hbm.at[pl.ds(off, _CHUNK)], ssem.at[b]
            ).start()

            g2 = g + _NBUF

            @pl.when(g2 < _G)
            def _():
                pltpu.make_async_copy(
                    bufs.at[b], out_hbm.at[pl.ds(off, _CHUNK)], ssem.at[b]
                ).wait()
                pltpu.make_async_copy(
                    in_hbm.at[pl.ds(base + g2 * _CHUNK, _CHUNK)],
                    bufs.at[b],
                    lsem.at[b],
                ).start()

        return carry

    lax.fori_loop(0, _G // _NBUF, outer, 0)

    for b in range(_NBUF):
        off = base + (_G - _NBUF + b) * _CHUNK
        pltpu.make_async_copy(
            bufs.at[b], out_hbm.at[pl.ds(off, _CHUNK)], ssem.at[b]
        ).wait()


def _copy_body(i_ref, o_ref):
    o_ref[...] = i_ref[...]


def kernel(x, bit, alpha):
    del bit, alpha
    x2 = x.reshape(_ROWS, _COLS)
    tc_out = pl.pallas_call(
        _copy_body,
        grid=(_ROWS // _BLOCK_ROWS,),
        in_specs=[pl.BlockSpec((_BLOCK_ROWS, _COLS), lambda i: (i, 0))],
        out_specs=pl.BlockSpec((_BLOCK_ROWS, _COLS), lambda i: (i, 0)),
        out_shape=jax.ShapeDtypeStruct((_ROWS, _COLS), x.dtype),
        compiler_params=pltpu.CompilerParams(skip_device_barrier=True),
    )(x2)
    sc_out = _sc_copy(x.reshape(-1))
    return tc_out.reshape(x.shape), sc_out

# --- scband reference (transcript-rebuilt; emitter-appended) ---
"""Pipeline reference for scband-q-re-lu-22823456211627 (READ-ONLY COPY).

The authoritative reference and input builder live on the scoring server;
editing this copy changes nothing except your own understanding.
"""

import jax, jax.numpy as jnp
import numpy as np

def setup_inputs(seed: int = 0) -> dict:
    key = jax.random.key(seed)
    k1, = jax.random.split(key, 1)
    x = jax.random.normal(k1, (2, 8192, 4096), dtype=jnp.float32)
    # Learned parameters of Q_ReLU (unused on the quant=False path but part of the module)
    bit = jnp.zeros((1,), dtype=jnp.float32)
    alpha = jnp.full((1,), 6.0, dtype=jnp.float32)
    return {"x": x, "bit": bit, "alpha": alpha}

def reference(x, bit, alpha):
    # Q_ReLU.__init__ sets self.quant = False and there is no init arg to change it,
    # so forward(x) takes the `if self.quant is False: return x` branch: identity.
    # bit/alpha are module parameters that do not participate on this path.
    return x

if __name__ == "__main__":
    import jax
    _d = setup_inputs()
    print(jax.jit(kernel)(*tuple(_d.values())))

</pallas_src>

<mosaic_0001>
#map = affine_map<(d0, d1) -> (0)>
module attributes {stable_mosaic.version = 14 : i64} {
  func.func @_sc_copy(%arg0: i32, %arg1: i32, %arg2: memref<67108864xf32, #tpu.memory_space<hbm>>, %arg3: memref<16777216xf32, #tpu.memory_space<hbm>>, %arg4: memref<4x16384xf32, #tpu.memory_space<vmem>>, %arg5: memref<4x!tpu.dma_semaphore, #tpu.memory_space<semaphore_mem>>, %arg6: memref<4x!tpu.dma_semaphore, #tpu.memory_space<semaphore_mem>>) attributes {dimension_semantics = [#tpu.dimension_semantics<core_parallel>, #tpu.dimension_semantics<subcore_parallel>], iteration_bounds = array<i64: 2, 16>, scalar_prefetch = 0 : i64, scratch_operands = 3 : i64, tpu.core_type = #tpu.core_type<sc_vector_subcore>, window_params = [{transform_indices = #map}, {transform_indices = #map}]} {
    %mul3A = arith.constant 2 : i32
    %mul3A_0 = arith.muli %arg1, %mul3A : i32
    %add3A = arith.addi %mul3A_0, %arg0 : i32
    %mul3A_1 = arith.constant 524288 : i32
    %mul3A_2 = arith.muli %add3A, %mul3A_1 : i32
    %add3A_3 = arith.constant 0 : i32
    %add3A_4 = arith.addi %mul3A_2, %add3A_3 : i32
    %dma_start3A = arith.constant 0 : i32
    %dma_start3A_5 = arith.constant 0 : i32
    %dma_start3A_6 = arith.constant 0 : i32
    %dma_start3A_7 = tpu.memref_slice %arg4[%dma_start3A, %dma_start3A_6] : memref<4x16384xf32, #tpu.memory_space<vmem>> -> memref<1x16384xf32, #tpu.memory_space<vmem>>
    %dma_start3A_8 = tpu.memref_squeeze %dma_start3A_7 : memref<1x16384xf32, #tpu.memory_space<vmem>> -> memref<16384xf32, #tpu.memory_space<vmem>>
    %dma_start3A_9 = tpu.memref_slice %arg2[%add3A_4] : memref<67108864xf32, #tpu.memory_space<hbm>> -> memref<16384xf32, #tpu.memory_space<hbm>>
    %dma_start3A_10 = tpu.memref_slice %arg5[%dma_start3A_5] : memref<4x!tpu.dma_semaphore, #tpu.memory_space<semaphore_mem>> -> memref<1x!tpu.dma_semaphore, #tpu.memory_space<semaphore_mem>>
    %dma_start3A_11 = tpu.memref_squeeze %dma_start3A_10 : memref<1x!tpu.dma_semaphore, #tpu.memory_space<semaphore_mem>> -> memref<!tpu.dma_semaphore, #tpu.memory_space<semaphore_mem>>
    %dma_start3A_12 = arith.constant 0 : i32
    %dma_start3A_13 = tpu.memref_slice %arg4[%dma_start3A, %dma_start3A_12] : memref<4x16384xf32, #tpu.memory_space<vmem>> -> memref<1x16384xf32, #tpu.memory_space<vmem>>
    %dma_start3A_14 = tpu.memref_squeeze %dma_start3A_13 : memref<1x16384xf32, #tpu.memory_space<vmem>> -> memref<16384xf32, #tpu.memory_space<vmem>>
    %dma_start3A_15 = tpu.memref_slice %arg2[%add3A_4] : memref<67108864xf32, #tpu.memory_space<hbm>> -> memref<16384xf32, #tpu.memory_space<hbm>>
    tpu.enqueue_dma source(%dma_start3A_15 : memref<16384xf32, #tpu.memory_space<hbm>>) target(%dma_start3A_14 : memref<16384xf32, #tpu.memory_space<vmem>>) target_semaphore(%dma_start3A_11 : memref<!tpu.dma_semaphore, #tpu.memory_space<semaphore_mem>>)
    %add3A_16 = arith.constant 16384 : i32
    %add3A_17 = arith.addi %mul3A_2, %add3A_16 : i32
    %dma_start3A_18 = arith.constant 1 : i32
    %dma_start3A_19 = arith.constant 1 : i32
    %dma_start3A_20 = arith.constant 0 : i32
    %dma_start3A_21 = tpu.memref_slice %arg4[%dma_start3A_18, %dma_start3A_20] : memref<4x16384xf32, #tpu.memory_space<vmem>> -> memref<1x16384xf32, #tpu.memory_space<vmem>>
    %dma_start3A_22 = tpu.memref_squeeze %dma_start3A_21 : memref<1x16384xf32, #tpu.memory_space<vmem>> -> memref<16384xf32, #tpu.memory_space<vmem>>
    %dma_start3A_23 = tpu.memref_slice %arg2[%add3A_17] : memref<67108864xf32, #tpu.memory_space<hbm>> -> memref<16384xf32, #tpu.memory_space<hbm>>
    %dma_start3A_24 = tpu.memref_slice %arg5[%dma_start3A_19] : memref<4x!tpu.dma_semaphore, #tpu.memory_space<semaphore_mem>> -> memref<1x!tpu.dma_semaphore, #tpu.memory_space<semaphore_mem>>
    %dma_start3A_25 = tpu.memref_squeeze %dma_start3A_24 : memref<1x!tpu.dma_semaphore, #tpu.memory_space<semaphore_mem>> -> memref<!tpu.dma_semaphore, #tpu.memory_space<semaphore_mem>>
    %dma_start3A_26 = arith.constant 0 : i32
    %dma_start3A_27 = tpu.memref_slice %arg4[%dma_start3A_18, %dma_start3A_26] : memref<4x16384xf32, #tpu.memory_space<vmem>> -> memref<1x16384xf32, #tpu.memory_space<vmem>>
    %dma_start3A_28 = tpu.memref_squeeze %dma_start3A_27 : memref<1x16384xf32, #tpu.memory_space<vmem>> -> memref<16384xf32, #tpu.memory_space<vmem>>
    %dma_start3A_29 = tpu.memref_slice %arg2[%add3A_17] : memref<67108864xf32, #tpu.memory_space<hbm>> -> memref<16384xf32, #tpu.memory_space<hbm>>
    tpu.enqueue_dma source(%dma_start3A_29 : memref<16384xf32, #tpu.memory_space<hbm>>) target(%dma_start3A_28 : memref<16384xf32, #tpu.memory_space<vmem>>) target_semaphore(%dma_start3A_25 : memref<!tpu.dma_semaphore, #tpu.memory_space<semaphore_mem>>)
    %add3A_30 = arith.constant 32768 : i32
    %add3A_31 = arith.addi %mul3A_2, %add3A_30 : i32
    %dma_start3A_32 = arith.constant 2 : i32
    %dma_start3A_33 = arith.constant 2 : i32
    %dma_start3A_34 = arith.constant 0 : i32
    %dma_start3A_35 = tpu.memref_slice %arg4[%dma_start3A_32, %dma_start3A_34] : memref<4x16384xf32, #tpu.memory_space<vmem>> -> memref<1x16384xf32, #tpu.memory_space<vmem>>
    %dma_start3A_36 = tpu.memref_squeeze %dma_start3A_35 : memref<1x16384xf32, #tpu.memory_space<vmem>> -> memref<16384xf32, #tpu.memory_space<vmem>>
    %dma_start3A_37 = tpu.memref_slice %arg2[%add3A_31] : memref<67108864xf32, #tpu.memory_space<hbm>> -> memref<16384xf32, #tpu.memory_space<hbm>>
    %dma_start3A_38 = tpu.memref_slice %arg5[%dma_start3A_33] : memref<4x!tpu.dma_semaphore, #tpu.memory_space<semaphore_mem>> -> memref<1x!tpu.dma_semaphore, #tpu.memory_space<semaphore_mem>>
    %dma_start3A_39 = tpu.memref_squeeze %dma_start3A_38 : memref<1x!tpu.dma_semaphore, #tpu.memory_space<semaphore_mem>> -> memref<!tpu.dma_semaphore, #tpu.memory_space<semaphore_mem>>
    %dma_start3A_40 = arith.constant 0 : i32
    %dma_start3A_41 = tpu.memref_slice %arg4[%dma_start3A_32, %dma_start3A_40] : memref<4x16384xf32, #tpu.memory_space<vmem>> -> memref<1x16384xf32, #tpu.memory_space<vmem>>
    %dma_start3A_42 = tpu.memref_squeeze %dma_start3A_41 : memref<1x16384xf32, #tpu.memory_space<vmem>> -> memref<16384xf32, #tpu.memory_space<vmem>>
    %dma_start3A_43 = tpu.memref_slice %arg2[%add3A_31] : memref<67108864xf32, #tpu.memory_space<hbm>> -> memref<16384xf32, #tpu.memory_space<hbm>>
    tpu.enqueue_dma source(%dma_start3A_43 : memref<16384xf32, #tpu.memory_space<hbm>>) target(%dma_start3A_42 : memref<16384xf32, #tpu.memory_space<vmem>>) target_semaphore(%dma_start3A_39 : memref<!tpu.dma_semaphore, #tpu.memory_space<semaphore_mem>>)
    %add3A_44 = arith.constant 49152 : i32
    %add3A_45 = arith.addi %mul3A_2, %add3A_44 : i32
    %dma_start3A_46 = arith.constant 3 : i32
    %dma_start3A_47 = arith.constant 3 : i32
    %dma_start3A_48 = arith.constant 0 : i32
    %dma_start3A_49 = tpu.memref_slice %arg4[%dma_start3A_46, %dma_start3A_48] : memref<4x16384xf32, #tpu.memory_space<vmem>> -> memref<1x16384xf32, #tpu.memory_space<vmem>>
    %dma_start3A_50 = tpu.memref_squeeze %dma_start3A_49 : memref<1x16384xf32, #tpu.memory_space<vmem>> -> memref<16384xf32, #tpu.memory_space<vmem>>
    %dma_start3A_51 = tpu.memref_slice %arg2[%add3A_45] : memref<67108864xf32, #tpu.memory_space<hbm>> -> memref<16384xf32, #tpu.memory_space<hbm>>
    %dma_start3A_52 = tpu.memref_slice %arg5[%dma_start3A_47] : memref<4x!tpu.dma_semaphore, #tpu.memory_space<semaphore_mem>> -> memref<1x!tpu.dma_semaphore, #tpu.memory_space<semaphore_mem>>
    %dma_start3A_53 = tpu.memref_squeeze %dma_start3A_52 : memref<1x!tpu.dma_semaphore, #tpu.memory_space<semaphore_mem>> -> memref<!tpu.dma_semaphore, #tpu.memory_space<semaphore_mem>>
    %dma_start3A_54 = arith.constant 0 : i32
    %dma_start3A_55 = tpu.memref_slice %arg4[%dma_start3A_46, %dma_start3A_54] : memref<4x16384xf32, #tpu.memory_space<vmem>> -> memref<1x16384xf32, #tpu.memory_space<vmem>>
    %dma_start3A_56 = tpu.memref_squeeze %dma_start3A_55 : memref<1x16384xf32, #tpu.memory_space<vmem>> -> memref<16384xf32, #tpu.memory_space<vmem>>
    %dma_start3A_57 = tpu.memref_slice %arg2[%add3A_45] : memref<67108864xf32, #tpu.memory_space<hbm>> -> memref<16384xf32, #tpu.memory_space<hbm>>
    tpu.enqueue_dma source(%dma_start3A_57 : memref<16384xf32, #tpu.memory_space<hbm>>) target(%dma_start3A_56 : memref<16384xf32, #tpu.memory_space<vmem>>) target_semaphore(%dma_start3A_53 : memref<!tpu.dma_semaphore, #tpu.memory_space<semaphore_mem>>)
    %scan3A = arith.constant 0 : i32
    %scan3A_58 = arith.constant 0 : i32
    %scan3A_59 = arith.constant 8 : i32
    %scan3A_60 = arith.addi %scan3A_58, %scan3A_59 : i32
    %scan3A_61 = arith.constant 1 : i32
    scf.for %scan3A_118 = %scan3A_58 to %scan3A_60 step %scan3A_61  : i32 {
      %mul3A_119 = arith.constant 4 : i32
      %mul3A_120 = arith.muli %scan3A_118, %mul3A_119 : i32
      %add3A_121 = arith.constant 0 : i32
      %add3A_122 = arith.addi %mul3A_120, %add3A_121 : i32
      %mul3A_123 = arith.constant 16384 : i32
      %mul3A_124 = arith.muli %add3A_122, %mul3A_123 : i32
      %add3A_125 = arith.addi %mul3A_2, %mul3A_124 : i32
      %dma_wait3A_126 = arith.constant 0 : i32
      %dma_wait3A_127 = arith.constant 0 : i32
      %dma_wait3A_128 = arith.constant 0 : i32
      %dma_wait3A_129 = tpu.memref_slice %arg4[%dma_wait3A_126, %dma_wait3A_128] : memref<4x16384xf32, #tpu.memory_space<vmem>> -> memref<1x16384xf32, #tpu.memory_space<vmem>>
      %dma_wait3A_130 = tpu.memref_squeeze %dma_wait3A_129 : memref<1x16384xf32, #tpu.memory_space<vmem>> -> memref<16384xf32, #tpu.memory_space<vmem>>
      %dma_wait3A_131 = tpu.memref_slice %arg2[%add3A_125] : memref<67108864xf32, #tpu.memory_space<hbm>> -> memref<16384xf32, #tpu.memory_space<hbm>>
      %dma_wait3A_132 = tpu.memref_slice %arg5[%dma_wait3A_127] : memref<4x!tpu.dma_semaphore, #tpu.memory_space<semaphore_mem>> -> memref<1x!tpu.dma_semaphore, #tpu.memory_space<semaphore_mem>>
      %dma_wait3A_133 = tpu.memref_squeeze %dma_wait3A_132 : memref<1x!tpu.dma_semaphore, #tpu.memory_space<semaphore_mem>> -> memref<!tpu.dma_semaphore, #tpu.memory_space<semaphore_mem>>
      %dma_wait3A_134 = arith.constant 0 : i32
      %dma_wait3A_135 = tpu.memref_slice %arg4[%dma_wait3A_126, %dma_wait3A_134] : memref<4x16384xf32, #tpu.memory_space<vmem>> -> memref<1x16384xf32, #tpu.memory_space<vmem>>
      %dma_wait3A_136 = tpu.memref_squeeze %dma_wait3A_135 : memref<1x16384xf32, #tpu.memory_space<vmem>> -> memref<16384xf32, #tpu.memory_space<vmem>>
      %dma_wait3A_137 = tpu.memref_slice %arg2[%add3A_125] : memref<67108864xf32, #tpu.memory_space<hbm>> -> memref<16384xf32, #tpu.memory_space<hbm>>
      tpu.wait_dma2 semaphore(%dma_wait3A_133 : memref<!tpu.dma_semaphore, #tpu.memory_space<semaphore_mem>>) src(%dma_wait3A_137 : memref<16384xf32, #tpu.memory_space<hbm>>) dst(%dma_wait3A_136 : memref<16384xf32, #tpu.memory_space<vmem>>)
      %dma_start3A_138 = arith.constant 0 : i32
      %dma_start3A_139 = arith.constant 0 : i32
      %dma_start3A_140 = arith.constant 0 : i32
      %dma_start3A_141 = tpu.memref_slice %arg4[%dma_start3A_138, %dma_start3A_140] : memref<4x16384xf32, #tpu.memory_space<vmem>> -> memref<1x16384xf32, #tpu.memory_space<vmem>>
      %dma_start3A_142 = tpu.memref_squeeze %dma_start3A_141 : memref<1x16384xf32, #tpu.memory_space<vmem>> -> memref<16384xf32, #tpu.memory_space<vmem>>
      %dma_start3A_143 = tpu.memref_slice %arg3[%add3A_125] : memref<16777216xf32, #tpu.memory_space<hbm>> -> memref<16384xf32, #tpu.memory_space<hbm>>
      %dma_start3A_144 = tpu.memref_slice %arg6[%dma_start3A_139] : memref<4x!tpu.dma_semaphore, #tpu.memory_space<semaphore_mem>> -> memref<1x!tpu.dma_semaphore, #tpu.memory_space<semaphore_mem>>
      %dma_start3A_145 = tpu.memref_squeeze %dma_start3A_144 : memref<1x!tpu.dma_semaphore, #tpu.memory_space<semaphore_mem>> -> memref<!tpu.dma_semaphore, #tpu.memory_space<semaphore_mem>>
      %dma_start3A_146 = tpu.memref_slice %arg3[%add3A_125] : memref<16777216xf32, #tpu.memory_space<hbm>> -> memref<16384xf32, #tpu.memory_space<hbm>>
      %dma_start3A_147 = arith.constant 0 : i32
      %dma_start3A_148 = tpu.memref_slice %arg4[%dma_start3A_138, %dma_start3A_147] : memref<4x16384xf32, #tpu.memory_space<vmem>> -> memref<1x16384xf32, #tpu.memory_space<vmem>>
      %dma_start3A_149 = tpu.memref_squeeze %dma_start3A_148 : memref<1x16384xf32, #tpu.memory_space<vmem>> -> memref<16384xf32, #tpu.memory_space<vmem>>
      tpu.enqueue_dma source(%dma_start3A_149 : memref<16384xf32, #tpu.memory_space<vmem>>) target(%dma_start3A_146 : memref<16384xf32, #tpu.memory_space<hbm>>) target_semaphore(%dma_start3A_145 : memref<!tpu.dma_semaphore, #tpu.memory_space<semaphore_mem>>)
      %add3A_150 = arith.constant 4 : i32
      %add3A_151 = arith.addi %add3A_122, %add3A_150 : i32
      %lt3A = arith.constant 32 : i32
      %lt3A_152 = arith.cmpi slt, %add3A_151, %lt3A : i32
      %convert_element_type3A = arith.extui %lt3A_152 : i1 to i32
      %cond3A = arith.constant 0 : i32
      %cond3A_153 = arith.cmpi ne, %convert_element_type3A, %cond3A : i32
      scf.if %cond3A_153 {
        %dma_wait3A_268 = arith.constant 0 : i32
        %dma_wait3A_269 = arith.constant 0 : i32
        %dma_wait3A_270 = arith.constant 0 : i32
        %dma_wait3A_271 = tpu.memref_slice %arg4[%dma_wait3A_268, %dma_wait3A_270] : memref<4x16384xf32, #tpu.memory_space<vmem>> -> memref<1x16384xf32, #tpu.memory_space<vmem>>
        %dma_wait3A_272 = tpu.memref_squeeze %dma_wait3A_271 : memref<1x16384xf32, #tpu.memory_space<vmem>> -> memref<16384xf32, #tpu.memory_space<vmem>>
        %dma_wait3A_273 = tpu.memref_slice %arg3[%add3A_125] : memref<16777216xf32, #tpu.memory_space<hbm>> -> memref<16384xf32, #tpu.memory_space<hbm>>
        %dma_wait3A_274 = tpu.memref_slice %arg6[%dma_wait3A_269] : memref<4x!tpu.dma_semaphore, #tpu.memory_space<semaphore_mem>> -> memref<1x!tpu.dma_semaphore, #tpu.memory_space<semaphore_mem>>
        %dma_wait3A_275 = tpu.memref_squeeze %dma_wait3A_274 : memref<1x!tpu.dma_semaphore, #tpu.memory_space<semaphore_mem>> -> memref<!tpu.dma_semaphore, #tpu.memory_space<semaphore_mem>>
        %dma_wait3A_276 = tpu.memref_slice %arg3[%add3A_125] : memref<16777216xf32, #tpu.memory_space<hbm>> -> memref<16384xf32, #tpu.memory_space<hbm>>
        %dma_wait3A_277 = arith.constant 0 : i32
        %dma_wait3A_278 = tpu.memref_slice %arg4[%dma_wait3A_268, %dma_wait3A_277] : memref<4x16384xf32, #tpu.memory_space<vmem>> -> memref<1x16384xf32, #tpu.memory_space<vmem>>
        %dma_wait3A_279 = tpu.memref_squeeze %dma_wait3A_278 : memref<1x16384xf32, #tpu.memory_space<vmem>> -> memref<16384xf32, #tpu.memory_space<vmem>>
        tpu.wait_dma2 semaphore(%dma_wait3A_275 : memref<!tpu.dma_semaphore, #tpu.memory_space<semaphore_mem>>) src(%dma_wait3A_279 : memref<16384xf32, #tpu.memory_space<vmem>>) dst(%dma_wait3A_276 : memref<16384xf32, #tpu.memory_space<hbm>>)
        %mul3A_280 = arith.constant 16384 : i32
        %mul3A_281 = arith.muli %add3A_151, %mul3A_280 : i32
        %add3A_282 = arith.addi %mul3A_2, %mul3A_281 : i32
        %dma_start3A_283 = arith.constant 0 : i32
        %dma_start3A_284 = arith.constant 0 : i32
        %dma_start3A_285 = arith.constant 0 : i32
        %dma_start3A_286 = tpu.memref_slice %arg4[%dma_start3A_283, %dma_start3A_285] : memref<4x16384xf32, #tpu.memory_space<vmem>> -> memref<1x16384xf32, #tpu.memory_space<vmem>>
        %dma_start3A_287 = tpu.memref_squeeze %dma_start3A_286 : memref<1x16384xf32, #tpu.memory_space<vmem>> -> memref<16384xf32, #tpu.memory_space<vmem>>
        %dma_start3A_288 = tpu.memref_slice %arg2[%add3A_282] : memref<67108864xf32, #tpu.memory_space<hbm>> -> memref<16384xf32, #tpu.memory_space<hbm>>
        %dma_start3A_289 = tpu.memref_slice %arg5[%dma_start3A_284] : memref<4x!tpu.dma_semaphore, #tpu.memory_space<semaphore_mem>> -> memref<1x!tpu.dma_semaphore, #tpu.memory_space<semaphore_mem>>
        %dma_start3A_290 = tpu.memref_squeeze %dma_start3A_289 : memref<1x!tpu.dma_semaphore, #tpu.memory_space<semaphore_mem>> -> memref<!tpu.dma_semaphore, #tpu.memory_space<semaphore_mem>>
        %dma_start3A_291 = arith.constant 0 : i32
        %dma_start3A_292 = tpu.memref_slice %arg4[%dma_start3A_283, %dma_start3A_291] : memref<4x16384xf32, #tpu.memory_space<vmem>> -> memref<1x16384xf32, #tpu.memory_space<vmem>>
        %dma_start3A_293 = tpu.memref_squeeze %dma_start3A_292 : memref<1x16384xf32, #tpu.memory_space<vmem>> -> memref<16384xf32, #tpu.memory_space<vmem>>
        %dma_start3A_294 = tpu.memref_slice %arg2[%add3A_282] : memref<67108864xf32, #tpu.memory_space<hbm>> -> memref<16384xf32, #tpu.memory_space<hbm>>
        tpu.enqueue_dma source(%dma_start3A_294 : memref<16384xf32, #tpu.memory_space<hbm>>) target(%dma_start3A_293 : memref<16384xf32, #tpu.memory_space<vmem>>) target_semaphore(%dma_start3A_290 : memref<!tpu.dma_semaphore, #tpu.memory_space<semaphore_mem>>)
      } else {
      }
      %mul3A_154 = arith.constant 4 : i32
      %mul3A_155 = arith.muli %scan3A_118, %mul3A_154 : i32
      %add3A_156 = arith.constant 1 : i32
      %add3A_157 = arith.addi %mul3A_155, %add3A_156 : i32
      %mul3A_158 = arith.constant 16384 : i32
      %mul3A_159 = arith.muli %add3A_157, %mul3A_158 : i32
      %add3A_160 = arith.addi %mul3A_2, %mul3A_159 : i32
      %dma_wait3A_161 = arith.constant 1 : i32
      %dma_wait3A_162 = arith.constant 1 : i32
      %dma_wait3A_163 = arith.constant 0 : i32
      %dma_wait3A_164 = tpu.memref_slice %arg4[%dma_wait3A_161, %dma_wait3A_163] : memref<4x16384xf32, #tpu.memory_space<vmem>> -> memref<1x16384xf32, #tpu.memory_space<vmem>>
      %dma_wait3A_165 = tpu.memref_squeeze %dma_wait3A_164 : memref<1x16384xf32, #tpu.memory_space<vmem>> -> memref<16384xf32, #tpu.memory_space<vmem>>
      %dma_wait3A_166 = tpu.memref_slice %arg2[%add3A_160] : memref<67108864xf32, #tpu.memory_space<hbm>> -> memref<16384xf32, #tpu.memory_space<hbm>>
      %dma_wait3A_167 = tpu.memref_slice %arg5[%dma_wait3A_162] : memref<4x!tpu.dma_semaphore, #tpu.memory_space<semaphore_mem>> -> memref<1x!tpu.dma_semaphore, #tpu.memory_space<semaphore_mem>>
      %dma_wait3A_168 = tpu.memref_squeeze %dma_wait3A_167 : memref<1x!tpu.dma_semaphore, #tpu.memory_space<semaphore_mem>> -> memref<!tpu.dma_semaphore, #tpu.memory_space<semaphore_mem>>
      %dma_wait3A_169 = arith.constant 0 : i32
      %dma_wait3A_170 = tpu.memref_slice %arg4[%dma_wait3A_161, %dma_wait3A_169] : memref<4x16384xf32, #tpu.memory_space<vmem>> -> memref<1x16384xf32, #tpu.memory_space<vmem>>
      %dma_wait3A_171 = tpu.memref_squeeze %dma_wait3A_170 : memref<1x16384xf32, #tpu.memory_space<vmem>> -> memref<16384xf32, #tpu.memory_space<vmem>>
      %dma_wait3A_172 = tpu.memref_slice %arg2[%add3A_160] : memref<67108864xf32, #tpu.memory_space<hbm>> -> memref<16384xf32, #tpu.memory_space<hbm>>
      tpu.wait_dma2 semaphore(%dma_wait3A_168 : memref<!tpu.dma_semaphore, #tpu.memory_space<semaphore_mem>>) src(%dma_wait3A_172 : memref<16384xf32, #tpu.memory_space<hbm>>) dst(%dma_wait3A_171 : memref<16384xf32, #tpu.memory_space<vmem>>)
      %dma_start3A_173 = arith.constant 1 : i32
      %dma_start3A_174 = arith.constant 1 : i32
      %dma_start3A_175 = arith.constant 0 : i32
      %dma_start3A_176 = tpu.memref_slice %arg4[%dma_start3A_173, %dma_start3A_175] : memref<4x16384xf32, #tpu.memory_space<vmem>> -> memref<1x16384xf32, #tpu.memory_space<vmem>>
      %dma_start3A_177 = tpu.memref_squeeze %dma_start3A_176 : memref<1x16384xf32, #tpu.memory_space<vmem>> -> memref<16384xf32, #tpu.memory_space<vmem>>
      %dma_start3A_178 = tpu.memref_slice %arg3[%add3A_160] : memref<16777216xf32, #tpu.memory_space<hbm>> -> memref<16384xf32, #tpu.memory_space<hbm>>
      %dma_start3A_179 = tpu.memref_slice %arg6[%dma_start3A_174] : memref<4x!tpu.dma_semaphore, #tpu.memory_space<semaphore_mem>> -> memref<1x!tpu.dma_semaphore, #tpu.memory_space<semaphore_mem>>
      %dma_start3A_180 = tpu.memref_squeeze %dma_start3A_179 : memref<1x!tpu.dma_semaphore, #tpu.memory_space<semaphore_mem>> -> memref<!tpu.dma_semaphore, #tpu.memory_space<semaphore_mem>>
      %dma_start3A_181 = tpu.memref_slice %arg3[%add3A_160] : memref<16777216xf32, #tpu.memory_space<hbm>> -> memref<16384xf32, #tpu.memory_space<hbm>>
      %dma_start3A_182 = arith.constant 0 : i32
      %dma_start3A_183 = tpu.memref_slice %arg4[%dma_start3A_173, %dma_start3A_182] : memref<4x16384xf32, #tpu.memory_space<vmem>> -> memref<1x16384xf32, #tpu.memory_space<vmem>>
      %dma_start3A_184 = tpu.memref_squeeze %dma_start3A_183 : memref<1x16384xf32, #tpu.memory_space<vmem>> -> memref<16384xf32, #tpu.memory_space<vmem>>
      tpu.enqueue_dma source(%dma_start3A_184 : memref<16384xf32, #tpu.memory_space<vmem>>) target(%dma_start3A_181 : memref<16384xf32, #tpu.memory_space<hbm>>) target_semaphore(%dma_start3A_180 : memref<!tpu.dma_semaphore, #tpu.memory_space<semaphore_mem>>)
      %add3A_185 = arith.constant 4 : i32
      %add3A_186 = arith.addi %add3A_157, %add3A_185 : i32
      %lt3A_187 = arith.constant 32 : i32
      %lt3A_188 = arith.cmpi slt, %add3A_186, %lt3A_187 : i32
      %convert_element_type3A_189 = arith.extui %lt3A_188 : i1 to i32
      %cond3A_190 = arith.constant 0 : i32
      %cond3A_191 = arith.cmpi ne, %convert_element_type3A_189, %cond3A_190 : i32
      scf.if %cond3A_191 {
        %dma_wait3A_268 = arith.constant 1 : i32
        %dma_wait3A_269 = arith.constant 1 : i32
        %dma_wait3A_270 = arith.constant 0 : i32
        %dma_wait3A_271 = tpu.memref_slice %arg4[%dma_wait3A_268, %dma_wait3A_270] : memref<4x16384xf32, #tpu.memory_space<vmem>> -> memref<1x16384xf32, #tpu.memory_space<vmem>>
        %dma_wait3A_272 = tpu.memref_squeeze %dma_wait3A_271 : memref<1x16384xf32, #tpu.memory_space<vmem>> -> memref<16384xf32, #tpu.memory_space<vmem>>
        %dma_wait3A_273 = tpu.memref_slice %arg3[%add3A_160] : memref<16777216xf32, #tpu.memory_space<hbm>> -> memref<16384xf32, #tpu.memory_space<hbm>>
        %dma_wait3A_274 = tpu.memref_slice %arg6[%dma_wait3A_269] : memref<4x!tpu.dma_semaphore, #tpu.memory_space<semaphore_mem>> -> memref<1x!tpu.dma_semaphore, #tpu.memory_space<semaphore_mem>>
        %dma_wait3A_275 = tpu.memref_squeeze %dma_wait3A_274 : memref<1x!tpu.dma_semaphore, #tpu.memory_space<semaphore_mem>> -> memref<!tpu.dma_semaphore, #tpu.memory_space<semaphore_mem>>
        %dma_wait3A_276 = tpu.memref_slice %arg3[%add3A_160] : memref<16777216xf32, #tpu.memory_space<hbm>> -> memref<16384xf32, #tpu.memory_space<hbm>>
        %dma_wait3A_277 = arith.constant 0 : i32
        %dma_wait3A_278 = tpu.memref_slice %arg4[%dma_wait3A_268, %dma_wait3A_277] : memref<4x16384xf32, #tpu.memory_space<vmem>> -> memref<1x16384xf32, #tpu.memory_space<vmem>>
        %dma_wait3A_279 = tpu.memref_squeeze %dma_wait3A_278 : memref<1x16384xf32, #tpu.memory_space<vmem>> -> memref<16384xf32, #tpu.memory_space<vmem>>
        tpu.wait_dma2 semaphore(%dma_wait3A_275 : memref<!tpu.dma_semaphore, #tpu.memory_space<semaphore_mem>>) src(%dma_wait3A_279 : memref<16384xf32, #tpu.memory_space<vmem>>) dst(%dma_wait3A_276 : memref<16384xf32, #tpu.memory_space<hbm>>)
        %mul3A_280 = arith.constant 16384 : i32
        %mul3A_281 = arith.muli %add3A_186, %mul3A_280 : i32
        %add3A_282 = arith.addi %mul3A_2, %mul3A_281 : i32
        %dma_start3A_283 = arith.constant 1 : i32
        %dma_start3A_284 = arith.constant 1 : i32
        %dma_start3A_285 = arith.constant 0 : i32
        %dma_start3A_286 = tpu.memref_slice %arg4[%dma_start3A_283, %dma_start3A_285] : memref<4x16384xf32, #tpu.memory_space<vmem>> -> memref<1x16384xf32, #tpu.memory_space<vmem>>
        %dma_start3A_287 = tpu.memref_squeeze %dma_start3A_286 : memref<1x16384xf32, #tpu.memory_space<vmem>> -> memref<16384xf32, #tpu.memory_space<vmem>>
        %dma_start3A_288 = tpu.memref_slice %arg2[%add3A_282] : memref<67108864xf32, #tpu.memory_space<hbm>> -> memref<16384xf32, #tpu.memory_space<hbm>>
        %dma_start3A_289 = tpu.memref_slice %arg5[%dma_start3A_284] : memref<4x!tpu.dma_semaphore, #tpu.memory_space<semaphore_mem>> -> memref<1x!tpu.dma_semaphore, #tpu.memory_space<semaphore_mem>>
        %dma_start3A_290 = tpu.memref_squeeze %dma_start3A_289 : memref<1x!tpu.dma_semaphore, #tpu.memory_space<semaphore_mem>> -> memref<!tpu.dma_semaphore, #tpu.memory_space<semaphore_mem>>
        %dma_start3A_291 = arith.constant 0 : i32
        %dma_start3A_292 = tpu.memref_slice %arg4[%dma_start3A_283, %dma_start3A_291] : memref<4x16384xf32, #tpu.memory_space<vmem>> -> memref<1x16384xf32, #tpu.memory_space<vmem>>
        %dma_start3A_293 = tpu.memref_squeeze %dma_start3A_292 : memref<1x16384xf32, #tpu.memory_space<vmem>> -> memref<16384xf32, #tpu.memory_space<vmem>>
        %dma_start3A_294 = tpu.memref_slice %arg2[%add3A_282] : memref<67108864xf32, #tpu.memory_space<hbm>> -> memref<16384xf32, #tpu.memory_space<hbm>>
        tpu.enqueue_dma source(%dma_start3A_294 : memref<16384xf32, #tpu.memory_space<hbm>>) target(%dma_start3A_293 : memref<16384xf32, #tpu.memory_space<vmem>>) target_semaphore(%dma_start3A_290 : memref<!tpu.dma_semaphore, #tpu.memory_space<semaphore_mem>>)
      } else {
      }
      %mul3A_192 = arith.constant 4 : i32
      %mul3A_193 = arith.muli %scan3A_118, %mul3A_192 : i32
      %add3A_194 = arith.constant 2 : i32
      %add3A_195 = arith.addi %mul3A_193, %add3A_194 : i32
      %mul3A_196 = arith.constant 16384 : i32
      %mul3A_197 = arith.muli %add3A_195, %mul3A_196 : i32
      %add3A_198 = arith.addi %mul3A_2, %mul3A_197 : i32
      %dma_wait3A_199 = arith.constant 2 : i32
      %dma_wait3A_200 = arith.constant 2 : i32
      %dma_wait3A_201 = arith.constant 0 : i32
      %dma_wait3A_202 = tpu.memref_slice %arg4[%dma_wait3A_199, %dma_wait3A_201] : memref<4x16384xf32, #tpu.memory_space<vmem>> -> memref<1x16384xf32, #tpu.memory_space<vmem>>
      %dma_wait3A_203 = tpu.memref_squeeze %dma_wait3A_202 : memref<1x16384xf32, #tpu.memory_space<vmem>> -> memref<16384xf32, #tpu.memory_space<vmem>>
      %dma_wait3A_204 = tpu.memref_slice %arg2[%add3A_198] : memref<67108864xf32, #tpu.memory_space<hbm>> -> memref<16384xf32, #tpu.memory_space<hbm>>
      %dma_wait3A_205 = tpu.memref_slice %arg5[%dma_wait3A_200] : memref<4x!tpu.dma_semaphore, #tpu.memory_space<semaphore_mem>> -> memref<1x!tpu.dma_semaphore, #tpu.memory_space<semaphore_mem>>
      %dma_wait3A_206 = tpu.memref_squeeze %dma_wait3A_205 : memref<1x!tpu.dma_semaphore, #tpu.memory_space<semaphore_mem>> -> memref<!tpu.dma_semaphore, #tpu.memory_space<semaphore_mem>>
      %dma_wait3A_207 = arith.constant 0 : i32
      %dma_wait3A_208 = tpu.memref_slice %arg4[%dma_wait3A_199, %dma_wait3A_207] : memref<4x16384xf32, #tpu.memory_space<vmem>> -> memref<1x16384xf32, #tpu.memory_space<vmem>>
      %dma_wait3A_209 = tpu.memref_squeeze %dma_wait3A_208 : memref<1x16384xf32, #tpu.memory_space<vmem>> -> memref<16384xf32, #tpu.memory_space<vmem>>
      %dma_wait3A_210 = tpu.memref_slice %arg2[%add3A_198] : memref<67108864xf32, #tpu.memory_space<hbm>> -> memref<16384xf32, #tpu.memory_space<hbm>>
      tpu.wait_dma2 semaphore(%dma_wait3A_206 : memref<!tpu.dma_semaphore, #tpu.memory_space<semaphore_mem>>) src(%dma_wait3A_210 : memref<16384xf32, #tpu.memory_space<hbm>>) dst(%dma_wait3A_209 : memref<16384xf32, #tpu.memory_space<vmem>>)
      %dma_start3A_211 = arith.constant 2 : i32
      %dma_start3A_212 = arith.constant 2 : i32
      %dma_start3A_213 = arith.constant 0 : i32
      %dma_start3A_214 = tpu.memref_slice %arg4[%dma_start3A_211, %dma_start3A_213] : memref<4x16384xf32, #tpu.memory_space<vmem>> -> memref<1x16384xf32, #tpu.memory_space<vmem>>
      %dma_start3A_215 = tpu.memref_squeeze %dma_start3A_214 : memref<1x16384xf32, #tpu.memory_space<vmem>> -> memref<16384xf32, #tpu.memory_space<vmem>>
      %dma_start3A_216 = tpu.memref_slice %arg3[%add3A_198] : memref<16777216xf32, #tpu.memory_space<hbm>> -> memref<16384xf32, #tpu.memory_space<hbm>>
      %dma_start3A_217 = tpu.memref_slice %arg6[%dma_start3A_212] : memref<4x!tpu.dma_semaphore, #tpu.memory_space<semaphore_mem>> -> memref<1x!tpu.dma_semaphore, #tpu.memory_space<semaphore_mem>>
      %dma_start3A_218 = tpu.memref_squeeze %dma_start3A_217 : memref<1x!tpu.dma_semaphore, #tpu.memory_space<semaphore_mem>> -> memref<!tpu.dma_semaphore, #tpu.memory_space<semaphore_mem>>
      %dma_start3A_219 = tpu.memref_slice %arg3[%add3A_198] : memref<16777216xf32, #tpu.memory_space<hbm>> -> memref<16384xf32, #tpu.memory_space<hbm>>
      %dma_start3A_220 = arith.constant 0 : i32
      %dma_start3A_221 = tpu.memref_slice %arg4[%dma_start3A_211, %dma_start3A_220] : memref<4x16384xf32, #tpu.memory_space<vmem>> -> memref<1x16384xf32, #tpu.memory_space<vmem>>
      %dma_start3A_222 = tpu.memref_squeeze %dma_start3A_221 : memref<1x16384xf32, #tpu.memory_space<vmem>> -> memref<16384xf32, #tpu.memory_space<vmem>>
      tpu.enqueue_dma source(%dma_start3A_222 : memref<16384xf32, #tpu.memory_space<vmem>>) target(%dma_start3A_219 : memref<16384xf32, #tpu.memory_space<hbm>>) target_semaphore(%dma_start3A_218 : memref<!tpu.dma_semaphore, #tpu.memory_space<semaphore_mem>>)
      %add3A_223 = arith.constant 4 : i32
      %add3A_224 = arith.addi %add3A_195, %add3A_223 : i32
      %lt3A_225 = arith.constant 32 : i32
      %lt3A_226 = arith.cmpi slt, %add3A_224, %lt3A_225 : i32
      %convert_element_type3A_227 = arith.extui %lt3A_226 : i1 to i32
      %cond3A_228 = arith.constant 0 : i32
      %cond3A_229 = arith.cmpi ne, %convert_element_type3A_227, %cond3A_228 : i32
      scf.if %cond3A_229 {
        %dma_wait3A_268 = arith.constant 2 : i32
        %dma_wait3A_269 = arith.constant 2 : i32
        %dma_wait3A_270 = arith.constant 0 : i32
        %dma_wait3A_271 = tpu.memref_slice %arg4[%dma_wait3A_268, %dma_wait3A_270] : memref<4x16384xf32, #tpu.memory_space<vmem>> -> memref<1x16384xf32, #tpu.memory_space<vmem>>
        %dma_wait3A_272 = tpu.memref_squeeze %dma_wait3A_271 : memref<1x16384xf32, #tpu.memory_space<vmem>> -> memref<16384xf32, #tpu.memory_space<vmem>>
        %dma_wait3A_273 = tpu.memref_slice %arg3[%add3A_198] : memref<16777216xf32, #tpu.memory_space<hbm>> -> memref<16384xf32, #tpu.memory_space<hbm>>
        %dma_wait3A_274 = tpu.memref_slice %arg6[%dma_wait3A_269] : memref<4x!tpu.dma_semaphore, #tpu.memory_space<semaphore_mem>> -> memref<1x!tpu.dma_semaphore, #tpu.memory_space<semaphore_mem>>
        %dma_wait3A_275 = tpu.memref_squeeze %dma_wait3A_274 : memref<1x!tpu.dma_semaphore, #tpu.memory_space<semaphore_mem>> -> memref<!tpu.dma_semaphore, #tpu.memory_space<semaphore_mem>>
        %dma_wait3A_276 = tpu.memref_slice %arg3[%add3A_198] : memref<16777216xf32, #tpu.memory_space<hbm>> -> memref<16384xf32, #tpu.memory_space<hbm>>
        %dma_wait3A_277 = arith.constant 0 : i32
        %dma_wait3A_278 = tpu.memref_slice %arg4[%dma_wait3A_268, %dma_wait3A_277] : memref<4x16384xf32, #tpu.memory_space<vmem>> -> memref<1x16384xf32, #tpu.memory_space<vmem>>
        %dma_wait3A_279 = tpu.memref_squeeze %dma_wait3A_278 : memref<1x16384xf32, #tpu.memory_space<vmem>> -> memref<16384xf32, #tpu.memory_space<vmem>>
        tpu.wait_dma2 semaphore(%dma_wait3A_275 : memref<!tpu.dma_semaphore, #tpu.memory_space<semaphore_mem>>) src(%dma_wait3A_279 : memref<16384xf32, #tpu.memory_space<vmem>>) dst(%dma_wait3A_276 : memref<16384xf32, #tpu.memory_space<hbm>>)
        %mul3A_280 = arith.constant 16384 : i32
        %mul3A_281 = arith.muli %add3A_224, %mul3A_280 : i32
        %add3A_282 = arith.addi %mul3A_2, %mul3A_281 : i32
        %dma_start3A_283 = arith.constant 2 : i32
        %dma_start3A_284 = arith.constant 2 : i32
        %dma_start3A_285 = arith.constant 0 : i32
        %dma_start3A_286 = tpu.memref_slice %arg4[%dma_start3A_283, %dma_start3A_285] : memref<4x16384xf32, #tpu.memory_space<vmem>> -> memref<1x16384xf32, #tpu.memory_space<vmem>>
        %dma_start3A_287 = tpu.memref_squeeze %dma_start3A_286 : memref<1x16384xf32, #tpu.memory_space<vmem>> -> memref<16384xf32, #tpu.memory_space<vmem>>
        %dma_start3A_288 = tpu.memref_slice %arg2[%add3A_282] : memref<67108864xf32, #tpu.memory_space<hbm>> -> memref<16384xf32, #tpu.memory_space<hbm>>
        %dma_start3A_289 = tpu.memref_slice %arg5[%dma_start3A_284] : memref<4x!tpu.dma_semaphore, #tpu.memory_space<semaphore_mem>> -> memref<1x!tpu.dma_semaphore, #tpu.memory_space<semaphore_mem>>
        %dma_start3A_290 = tpu.memref_squeeze %dma_start3A_289 : memref<1x!tpu.dma_semaphore, #tpu.memory_space<semaphore_mem>> -> memref<!tpu.dma_semaphore, #tpu.memory_space<semaphore_mem>>
        %dma_start3A_291 = arith.constant 0 : i32
        %dma_start3A_292 = tpu.memref_slice %arg4[%dma_start3A_283, %dma_start3A_291] : memref<4x16384xf32, #tpu.memory_space<vmem>> -> memref<1x16384xf32, #tpu.memory_space<vmem>>
        %dma_start3A_293 = tpu.memref_squeeze %dma_start3A_292 : memref<1x16384xf32, #tpu.memory_space<vmem>> -> memref<16384xf32, #tpu.memory_space<vmem>>
        %dma_start3A_294 = tpu.memref_slice %arg2[%add3A_282] : memref<67108864xf32, #tpu.memory_space<hbm>> -> memref<16384xf32, #tpu.memory_space<hbm>>
        tpu.enqueue_dma source(%dma_start3A_294 : memref<16384xf32, #tpu.memory_space<hbm>>) target(%dma_start3A_293 : memref<16384xf32, #tpu.memory_space<vmem>>) target_semaphore(%dma_start3A_290 : memref<!tpu.dma_semaphore, #tpu.memory_space<semaphore_mem>>)
      } else {
      }
      %mul3A_230 = arith.constant 4 : i32
      %mul3A_231 = arith.muli %scan3A_118, %mul3A_230 : i32
      %add3A_232 = arith.constant 3 : i32
      %add3A_233 = arith.addi %mul3A_231, %add3A_232 : i32
      %mul3A_234 = arith.constant 16384 : i32
      %mul3A_235 = arith.muli %add3A_233, %mul3A_234 : i32
      %add3A_236 = arith.addi %mul3A_2, %mul3A_235 : i32
      %dma_wait3A_237 = arith.constant 3 : i32
      %dma_wait3A_238 = arith.constant 3 : i32
      %dma_wait3A_239 = arith.constant 0 : i32
      %dma_wait3A_240 = tpu.memref_slice %arg4[%dma_wait3A_237, %dma_wait3A_239] : memref<4x16384xf32, #tpu.memory_space<vmem>> -> memref<1x16384xf32, #tpu.memory_space<vmem>>
      %dma_wait3A_241 = tpu.memref_squeeze %dma_wait3A_240 : memref<1x16384xf32, #tpu.memory_space<vmem>> -> memref<16384xf32, #tpu.memory_space<vmem>>
      %dma_wait3A_242 = tpu.memref_slice %arg2[%add3A_236] : memref<67108864xf32, #tpu.memory_space<hbm>> -> memref<16384xf32, #tpu.memory_space<hbm>>
      %dma_wait3A_243 = tpu.memref_slice %arg5[%dma_wait3A_238] : memref<4x!tpu.dma_semaphore, #tpu.memory_space<semaphore_mem>> -> memref<1x!tpu.dma_semaphore, #tpu.memory_space<semaphore_mem>>
      %dma_wait3A_244 = tpu.memref_squeeze %dma_wait3A_243 : memref<1x!tpu.dma_semaphore, #tpu.memory_space<semaphore_mem>> -> memref<!tpu.dma_semaphore, #tpu.memory_space<semaphore_mem>>
      %dma_wait3A_245 = arith.constant 0 : i32
      %dma_wait3A_246 = tpu.memref_slice %arg4[%dma_wait3A_237, %dma_wait3A_245] : memref<4x16384xf32, #tpu.memory_space<vmem>> -> memref<1x16384xf32, #tpu.memory_space<vmem>>
      %dma_wait3A_247 = tpu.memref_squeeze %dma_wait3A_246 : memref<1x16384xf32, #tpu.memory_space<vmem>> -> memref<16384xf32, #tpu.memory_space<vmem>>
      %dma_wait3A_248 = tpu.memref_slice %arg2[%add3A_236] : memref<67108864xf32, #tpu.memory_space<hbm>> -> memref<16384xf32, #tpu.memory_space<hbm>>
      tpu.wait_dma2 semaphore(%dma_wait3A_244 : memref<!tpu.dma_semaphore, #tpu.memory_space<semaphore_mem>>) src(%dma_wait3A_248 : memref<16384xf32, #tpu.memory_space<hbm>>) dst(%dma_wait3A_247 : memref<16384xf32, #tpu.memory_space<vmem>>)
      %dma_start3A_249 = arith.constant 3 : i32
      %dma_start3A_250 = arith.constant 3 : i32
      %dma_start3A_251 = arith.constant 0 : i32
      %dma_start3A_252 = tpu.memref_slice %arg4[%dma_start3A_249, %dma_start3A_251] : memref<4x16384xf32, #tpu.memory_space<vmem>> -> memref<1x16384xf32, #tpu.memory_space<vmem>>
      %dma_start3A_253 = tpu.memref_squeeze %dma_start3A_252 : memref<1x16384xf32, #tpu.memory_space<vmem>> -> memref<16384xf32, #tpu.memory_space<vmem>>
      %dma_start3A_254 = tpu.memref_slice %arg3[%add3A_236] : memref<16777216xf32, #tpu.memory_space<hbm>> -> memref<16384xf32, #tpu.memory_space<hbm>>
      %dma_start3A_255 = tpu.memref_slice %arg6[%dma_start3A_250] : memref<4x!tpu.dma_semaphore, #tpu.memory_space<semaphore_mem>> -> memref<1x!tpu.dma_semaphore, #tpu.memory_space<semaphore_mem>>
      %dma_start3A_256 = tpu.memref_squeeze %dma_start3A_255 : memref<1x!tpu.dma_semaphore, #tpu.memory_space<semaphore_mem>> -> memref<!tpu.dma_semaphore, #tpu.memory_space<semaphore_mem>>
      %dma_start3A_257 = tpu.memref_slice %arg3[%add3A_236] : memref<16777216xf32, #tpu.memory_space<hbm>> -> memref<16384xf32, #tpu.memory_space<hbm>>
      %dma_start3A_258 = arith.constant 0 : i32
      %dma_start3A_259 = tpu.memref_slice %arg4[%dma_start3A_249, %dma_start3A_258] : memref<4x16384xf32, #tpu.memory_space<vmem>> -> memref<1x16384xf32, #tpu.memory_space<vmem>>
      %dma_start3A_260 = tpu.memref_squeeze %dma_start3A_259 : memref<1x16384xf32, #tpu.memory_space<vmem>> -> memref<16384xf32, #tpu.memory_space<vmem>>
      tpu.enqueue_dma source(%dma_start3A_260 : memref<16384xf32, #tpu.memory_space<vmem>>) target(%dma_start3A_257 : memref<16384xf32, #tpu.memory_space<hbm>>) target_semaphore(%dma_start3A_256 : memref<!tpu.dma_semaphore, #tpu.memory_space<semaphore_mem>>)
      %add3A_261 = arith.constant 4 : i32
      %add3A_262 = arith.addi %add3A_233, %add3A_261 : i32
      %lt3A_263 = arith.constant 32 : i32
      %lt3A_264 = arith.cmpi slt, %add3A_262, %lt3A_263 : i32
      %convert_element_type3A_265 = arith.extui %lt3A_264 : i1 to i32
      %cond3A_266 = arith.constant 0 : i32
      %cond3A_267 = arith.cmpi ne, %convert_element_type3A_265, %cond3A_266 : i32
      scf.if %cond3A_267 {
        %dma_wait3A_268 = arith.constant 3 : i32
        %dma_wait3A_269 = arith.constant 3 : i32
        %dma_wait3A_270 = arith.constant 0 : i32
        %dma_wait3A_271 = tpu.memref_slice %arg4[%dma_wait3A_268, %dma_wait3A_270] : memref<4x16384xf32, #tpu.memory_space<vmem>> -> memref<1x16384xf32, #tpu.memory_space<vmem>>
        %dma_wait3A_272 = tpu.memref_squeeze %dma_wait3A_271 : memref<1x16384xf32, #tpu.memory_space<vmem>> -> memref<16384xf32, #tpu.memory_space<vmem>>
        %dma_wait3A_273 = tpu.memref_slice %arg3[%add3A_236] : memref<16777216xf32, #tpu.memory_space<hbm>> -> memref<16384xf32, #tpu.memory_space<hbm>>
        %dma_wait3A_274 = tpu.memref_slice %arg6[%dma_wait3A_269] : memref<4x!tpu.dma_semaphore, #tpu.memory_space<semaphore_mem>> -> memref<1x!tpu.dma_semaphore, #tpu.memory_space<semaphore_mem>>
        %dma_wait3A_275 = tpu.memref_squeeze %dma_wait3A_274 : memref<1x!tpu.dma_semaphore, #tpu.memory_space<semaphore_mem>> -> memref<!tpu.dma_semaphore, #tpu.memory_space<semaphore_mem>>
        %dma_wait3A_276 = tpu.memref_slice %arg3[%add3A_236] : memref<16777216xf32, #tpu.memory_space<hbm>> -> memref<16384xf32, #tpu.memory_space<hbm>>
        %dma_wait3A_277 = arith.constant 0 : i32
        %dma_wait3A_278 = tpu.memref_slice %arg4[%dma_wait3A_268, %dma_wait3A_277] : memref<4x16384xf32, #tpu.memory_space<vmem>> -> memref<1x16384xf32, #tpu.memory_space<vmem>>
        %dma_wait3A_279 = tpu.memref_squeeze %dma_wait3A_278 : memref<1x16384xf32, #tpu.memory_space<vmem>> -> memref<16384xf32, #tpu.memory_space<vmem>>
        tpu.wait_dma2 semaphore(%dma_wait3A_275 : memref<!tpu.dma_semaphore, #tpu.memory_space<semaphore_mem>>) src(%dma_wait3A_279 : memref<16384xf32, #tpu.memory_space<vmem>>) dst(%dma_wait3A_276 : memref<16384xf32, #tpu.memory_space<hbm>>)
        %mul3A_280 = arith.constant 16384 : i32
        %mul3A_281 = arith.muli %add3A_262, %mul3A_280 : i32
        %add3A_282 = arith.addi %mul3A_2, %mul3A_281 : i32
        %dma_start3A_283 = arith.constant 3 : i32
        %dma_start3A_284 = arith.constant 3 : i32
        %dma_start3A_285 = arith.constant 0 : i32
        %dma_start3A_286 = tpu.memref_slice %arg4[%dma_start3A_283, %dma_start3A_285] : memref<4x16384xf32, #tpu.memory_space<vmem>> -> memref<1x16384xf32, #tpu.memory_space<vmem>>
        %dma_start3A_287 = tpu.memref_squeeze %dma_start3A_286 : memref<1x16384xf32, #tpu.memory_space<vmem>> -> memref<16384xf32, #tpu.memory_space<vmem>>
        %dma_start3A_288 = tpu.memref_slice %arg2[%add3A_282] : memref<67108864xf32, #tpu.memory_space<hbm>> -> memref<16384xf32, #tpu.memory_space<hbm>>
        %dma_start3A_289 = tpu.memref_slice %arg5[%dma_start3A_284] : memref<4x!tpu.dma_semaphore, #tpu.memory_space<semaphore_mem>> -> memref<1x!tpu.dma_semaphore, #tpu.memory_space<semaphore_mem>>
        %dma_start3A_290 = tpu.memref_squeeze %dma_start3A_289 : memref<1x!tpu.dma_semaphore, #tpu.memory_space<semaphore_mem>> -> memref<!tpu.dma_semaphore, #tpu.memory_space<semaphore_mem>>
        %dma_start3A_291 = arith.constant 0 : i32
        %dma_start3A_292 = tpu.memref_slice %arg4[%dma_start3A_283, %dma_start3A_291] : memref<4x16384xf32, #tpu.memory_space<vmem>> -> memref<1x16384xf32, #tpu.memory_space<vmem>>
        %dma_start3A_293 = tpu.memref_squeeze %dma_start3A_292 : memref<1x16384xf32, #tpu.memory_space<vmem>> -> memref<16384xf32, #tpu.memory_space<vmem>>
        %dma_start3A_294 = tpu.memref_slice %arg2[%add3A_282] : memref<67108864xf32, #tpu.memory_space<hbm>> -> memref<16384xf32, #tpu.memory_space<hbm>>
        tpu.enqueue_dma source(%dma_start3A_294 : memref<16384xf32, #tpu.memory_space<hbm>>) target(%dma_start3A_293 : memref<16384xf32, #tpu.memory_space<vmem>>) target_semaphore(%dma_start3A_290 : memref<!tpu.dma_semaphore, #tpu.memory_space<semaphore_mem>>)
      } else {
      }
    }
    %scan3A_62 = arith.constant 8 : i32
    %add3A_63 = arith.constant 458752 : i32
    %add3A_64 = arith.addi %mul3A_2, %add3A_63 : i32
    %dma_wait3A = arith.constant 0 : i32
    %dma_wait3A_65 = arith.constant 0 : i32
    %dma_wait3A_66 = arith.constant 0 : i32
    %dma_wait3A_67 = tpu.memref_slice %arg4[%dma_wait3A, %dma_wait3A_66] : memref<4x16384xf32, #tpu.memory_space<vmem>> -> memref<1x16384xf32, #tpu.memory_space<vmem>>
    %dma_wait3A_68 = tpu.memref_squeeze %dma_wait3A_67 : memref<1x16384xf32, #tpu.memory_space<vmem>> -> memref<16384xf32, #tpu.memory_space<vmem>>
    %dma_wait3A_69 = tpu.memref_slice %arg3[%add3A_64] : memref<16777216xf32, #tpu.memory_space<hbm>> -> memref<16384xf32, #tpu.memory_space<hbm>>
    %dma_wait3A_70 = tpu.memref_slice %arg6[%dma_wait3A_65] : memref<4x!tpu.dma_semaphore, #tpu.memory_space<semaphore_mem>> -> memref<1x!tpu.dma_semaphore, #tpu.memory_space<semaphore_mem>>
    %dma_wait3A_71 = tpu.memref_squeeze %dma_wait3A_70 : memref<1x!tpu.dma_semaphore, #tpu.memory_space<semaphore_mem>> -> memref<!tpu.dma_semaphore, #tpu.memory_space<semaphore_mem>>
    %dma_wait3A_72 = tpu.memref_slice %arg3[%add3A_64] : memref<16777216xf32, #tpu.memory_space<hbm>> -> memref<16384xf32, #tpu.memory_space<hbm>>
    %dma_wait3A_73 = arith.constant 0 : i32
    %dma_wait3A_74 = tpu.memref_slice %arg4[%dma_wait3A, %dma_wait3A_73] : memref<4x16384xf32, #tpu.memory_space<vmem>> -> memref<1x16384xf32, #tpu.memory_space<vmem>>
    %dma_wait3A_75 = tpu.memref_squeeze %dma_wait3A_74 : memref<1x16384xf32, #tpu.memory_space<vmem>> -> memref<16384xf32, #tpu.memory_space<vmem>>
    tpu.wait_dma2 semaphore(%dma_wait3A_71 : memref<!tpu.dma_semaphore, #tpu.memory_space<semaphore_mem>>) src(%dma_wait3A_75 : memref<16384xf32, #tpu.memory_space<vmem>>) dst(%dma_wait3A_72 : memref<16384xf32, #tpu.memory_space<hbm>>)
    %add3A_76 = arith.constant 475136 : i32
    %add3A_77 = arith.addi %mul3A_2, %add3A_76 : i32
    %dma_wait3A_78 = arith.constant 1 : i32
    %dma_wait3A_79 = arith.constant 1 : i32
    %dma_wait3A_80 = arith.constant 0 : i32
    %dma_wait3A_81 = tpu.memref_slice %arg4[%dma_wait3A_78, %dma_wait3A_80] : memref<4x16384xf32, #tpu.memory_space<vmem>> -> memref<1x16384xf32, #tpu.memory_space<vmem>>
    %dma_wait3A_82 = tpu.memref_squeeze %dma_wait3A_81 : memref<1x16384xf32, #tpu.memory_space<vmem>> -> memref<16384xf32, #tpu.memory_space<vmem>>
    %dma_wait3A_83 = tpu.memref_slice %arg3[%add3A_77] : memref<16777216xf32, #tpu.memory_space<hbm>> -> memref<16384xf32, #tpu.memory_space<hbm>>
    %dma_wait3A_84 = tpu.memref_slice %arg6[%dma_wait3A_79] : memref<4x!tpu.dma_semaphore, #tpu.memory_space<semaphore_mem>> -> memref<1x!tpu.dma_semaphore, #tpu.memory_space<semaphore_mem>>
    %dma_wait3A_85 = tpu.memref_squeeze %dma_wait3A_84 : memref<1x!tpu.dma_semaphore, #tpu.memory_space<semaphore_mem>> -> memref<!tpu.dma_semaphore, #tpu.memory_space<semaphore_mem>>
    %dma_wait3A_86 = tpu.memref_slice %arg3[%add3A_77] : memref<16777216xf32, #tpu.memory_space<hbm>> -> memref<16384xf32, #tpu.memory_space<hbm>>
    %dma_wait3A_87 = arith.constant 0 : i32
    %dma_wait3A_88 = tpu.memref_slice %arg4[%dma_wait3A_78, %dma_wait3A_87] : memref<4x16384xf32, #tpu.memory_space<vmem>> -> memref<1x16384xf32, #tpu.memory_space<vmem>>
    %dma_wait3A_89 = tpu.memref_squeeze %dma_wait3A_88 : memref<1x16384xf32, #tpu.memory_space<vmem>> -> memref<16384xf32, #tpu.memory_space<vmem>>
    tpu.wait_dma2 semaphore(%dma_wait3A_85 : memref<!tpu.dma_semaphore, #tpu.memory_space<semaphore_mem>>) src(%dma_wait3A_89 : memref<16384xf32, #tpu.memory_space<vmem>>) dst(%dma_wait3A_86 : memref<16384xf32, #tpu.memory_space<hbm>>)
    %add3A_90 = arith.constant 491520 : i32
    %add3A_91 = arith.addi %mul3A_2, %add3A_90 : i32
    %dma_wait3A_92 = arith.constant 2 : i32
    %dma_wait3A_93 = arith.constant 2 : i32
    %dma_wait3A_94 = arith.constant 0 : i32
    %dma_wait3A_95 = tpu.memref_slice %arg4[%dma_wait3A_92, %dma_wait3A_94] : memref<4x16384xf32, #tpu.memory_space<vmem>> -> memref<1x16384xf32, #tpu.memory_space<vmem>>
    %dma_wait3A_96 = tpu.memref_squeeze %dma_wait3A_95 : memref<1x16384xf32, #tpu.memory_space<vmem>> -> memref<16384xf32, #tpu.memory_space<vmem>>
    %dma_wait3A_97 = tpu.memref_slice %arg3[%add3A_91] : memref<16777216xf32, #tpu.memory_space<hbm>> -> memref<16384xf32, #tpu.memory_space<hbm>>
    %dma_wait3A_98 = tpu.memref_slice %arg6[%dma_wait3A_93] : memref<4x!tpu.dma_semaphore, #tpu.memory_space<semaphore_mem>> -> memref<1x!tpu.dma_semaphore, #tpu.memory_space<semaphore_mem>>
    %dma_wait3A_99 = tpu.memref_squeeze %dma_wait3A_98 : memref<1x!tpu.dma_semaphore, #tpu.memory_space<semaphore_mem>> -> memref<!tpu.dma_semaphore, #tpu.memory_space<semaphore_mem>>
    %dma_wait3A_100 = tpu.memref_slice %arg3[%add3A_91] : memref<16777216xf32, #tpu.memory_space<hbm>> -> memref<16384xf32, #tpu.memory_space<hbm>>
    %dma_wait3A_101 = arith.constant 0 : i32
    %dma_wait3A_102 = tpu.memref_slice %arg4[%dma_wait3A_92, %dma_wait3A_101] : memref<4x16384xf32, #tpu.memory_space<vmem>> -> memref<1x16384xf32, #tpu.memory_space<vmem>>
    %dma_wait3A_103 = tpu.memref_squeeze %dma_wait3A_102 : memref<1x16384xf32, #tpu.memory_space<vmem>> -> memref<16384xf32, #tpu.memory_space<vmem>>
    tpu.wait_dma2 semaphore(%dma_wait3A_99 : memref<!tpu.dma_semaphore, #tpu.memory_space<semaphore_mem>>) src(%dma_wait3A_103 : memref<16384xf32, #tpu.memory_space<vmem>>) dst(%dma_wait3A_100 : memref<16384xf32, #tpu.memory_space<hbm>>)
    %add3A_104 = arith.constant 507904 : i32
    %add3A_105 = arith.addi %mul3A_2, %add3A_104 : i32
    %dma_wait3A_106 = arith.constant 3 : i32
    %dma_wait3A_107 = arith.constant 3 : i32
    %dma_wait3A_108 = arith.constant 0 : i32
    %dma_wait3A_109 = tpu.memref_slice %arg4[%dma_wait3A_106, %dma_wait3A_108] : memref<4x16384xf32, #tpu.memory_space<vmem>> -> memref<1x16384xf32, #tpu.memory_space<vmem>>
    %dma_wait3A_110 = tpu.memref_squeeze %dma_wait3A_109 : memref<1x16384xf32, #tpu.memory_space<vmem>> -> memref<16384xf32, #tpu.memory_space<vmem>>
    %dma_wait3A_111 = tpu.memref_slice %arg3[%add3A_105] : memref<16777216xf32, #tpu.memory_space<hbm>> -> memref<16384xf32, #tpu.memory_space<hbm>>
    %dma_wait3A_112 = tpu.memref_slice %arg6[%dma_wait3A_107] : memref<4x!tpu.dma_semaphore, #tpu.memory_space<semaphore_mem>> -> memref<1x!tpu.dma_semaphore, #tpu.memory_space<semaphore_mem>>
    %dma_wait3A_113 = tpu.memref_squeeze %dma_wait3A_112 : memref<1x!tpu.dma_semaphore, #tpu.memory_space<semaphore_mem>> -> memref<!tpu.dma_semaphore, #tpu.memory_space<semaphore_mem>>
    %dma_wait3A_114 = tpu.memref_slice %arg3[%add3A_105] : memref<16777216xf32, #tpu.memory_space<hbm>> -> memref<16384xf32, #tpu.memory_space<hbm>>
    %dma_wait3A_115 = arith.constant 0 : i32
    %dma_wait3A_116 = tpu.memref_slice %arg4[%dma_wait3A_106, %dma_wait3A_115] : memref<4x16384xf32, #tpu.memory_space<vmem>> -> memref<1x16384xf32, #tpu.memory_space<vmem>>
    %dma_wait3A_117 = tpu.memref_squeeze %dma_wait3A_116 : memref<1x16384xf32, #tpu.memory_space<vmem>> -> memref<16384xf32, #tpu.memory_space<vmem>>
    tpu.wait_dma2 semaphore(%dma_wait3A_113 : memref<!tpu.dma_semaphore, #tpu.memory_space<semaphore_mem>>) src(%dma_wait3A_117 : memref<16384xf32, #tpu.memory_space<vmem>>) dst(%dma_wait3A_114 : memref<16384xf32, #tpu.memory_space<hbm>>)
    return
  }
}

module attributes {stable_mosaic.version = 14 : i64} {
  func.func @_copy_body(%arg0: i32, %arg1: memref<512x4096xf32, #tpu.memory_space<vmem>>, %arg2: memref<512x4096xf32, #tpu.memory_space<vmem>>) attributes {dimension_semantics = [#tpu.dimension_semantics<arbitrary>], iteration_bounds = array<i64: 32>, scalar_prefetch = 0 : i64, scratch_operands = 0 : i64, tpu.core_type = #tpu.core_type<tc>, window_params = [{transform_indices = @transform_0, window_bounds = array<i64: 512, 4096>}, {transform_indices = @transform_1, window_bounds = array<i64: 512, 4096>}]} {
    %get3A = arith.constant 0 : index
    %get3A_0 = arith.constant 0 : index
    %get3A_1 = vector.load %arg1[%get3A, %get3A_0] : memref<512x4096xf32, #tpu.memory_space<vmem>>, vector<512x4096xf32>
    %swap3A = arith.constant 0 : index
    %swap3A_2 = arith.constant 0 : index
    %swap3A_3 = vector.load %arg2[%swap3A, %swap3A_2] : memref<512x4096xf32, #tpu.memory_space<vmem>>, vector<512x4096xf32>
    tpu.vector_store %arg2[%swap3A, %swap3A_2], %get3A_1 {strides = array<i32>} : memref<512x4096xf32, #tpu.memory_space<vmem>>, vector<512x4096xf32>,
    return
  }
  func.func @transform_0(%arg0: i32) -> (i32, i32) {
    %c0_i32 = arith.constant 0 : i32
    %c0_i32_0 = arith.constant 0 : i32
    return %arg0, %c0_i32 : i32, i32
  }
  func.func @transform_1(%arg0: i32) -> (i32, i32) {
    %c0_i32 = arith.constant 0 : i32
    %c0_i32_0 = arith.constant 0 : i32
    return %arg0, %c0_i32 : i32, i32
  }
}

</mosaic_0001>

<sc_bundles>
// kernel: kernel.4.cloned.1.call-start
scs
__scs_entry_jumppad:
0x0: {  	(pc) =	sbr.rel $0x88, $3  }
0x1: {  	(tag) =	ssettag $0x0;
	lr =	simm.s32 $0x1  }
0x2: {  	[smem:$0x3FA0] =	sst lr;
	_ =	strace $0xD0000000  }
0x3: {  	_ = 	snop  }
0x4: {  	_ = 	snop  }
0x5: {  	_ = 	snop  }
0x6: {  	_ = 	snop  }
0x7: {  	_ = 	snop  }
__scs_overlays_trampoline_lowered:
0x8: {  	[smem:$0x3FAF] =	sst s0  }
0x9: {  	[smem:$0x3FB0] =	sst s1  }
0xa: {  	[smem:$0x3FB1] =	sst s2  }
0xb: {  	[smem:$0x3FB2] =	sst s3  }
0xc: {  	[smem:$0x3FB3] =	sst s4  }
0xd: {  	[smem:$0x3FB4] =	sst s5  }
0xe: {  	[smem:$0x3FB5] =	sst s6  }
0xf: {  	[smem:$0x3FB6] =	sst s7  }
0x10: {  	[smem:$0x3FB7] =	sst s8  }
0x11: {  	[smem:$0x3FB8] =	sst s9;
	s0 =	simm.s32 @!p0 $0x0  }
0x12: {  	s1 =	sld [smem:$0x3F9E];
	s0 =	simm.s32 @p0 $0x1  }
0x13: {  	[smem:$0x3FB9] =	sst s0;
	s0 =	simm.s32 @!p1 $0x0  }
0x14: {  	s2 =	sld [smem:$0x3F9D];
	s0 =	simm.s32 @p1 $0x1  }
0x15: {  	[smem:$0x3FBA] =	sst s0;
	s0 =	simm.s32 @!p2 $0x0  }
0x16: {  	s3 =	sld [smem:$0x3FDB];
	s0 =	simm.s32 @p2 $0x1  }
0x17: {  	s4 =	simm.s32 $0x1BF5;
	[smem:$0x3FBC] =	sst s0  }
0x18: {  	s0 =	sld [smem:$0x3F9F];
	_ =	swait.ge [sflag:s4], $0x0  }
0x19: {  	s7 =	sld [smem:$0x3FA0]  }
0x1a: {  	s8 =	sadd.s32 $0xFFFFE003, lr  }
0x1b: {  	s9 =	sadd.s32 $0xFFFFFEF7, lr;
	s5 =	simm.s32 $0xFFFFFFFF;
	p2 =	slt.u32 s8, $0xFFFFF086  }
0x1c: {  	p1 =	slt.u32 s9, $0xF7A;
	s5 =	simm.s32 @!p2 $0x0  }
0x1d: {  	s5 =	simm.s32 @p1 $0x1;
	p0 =	seq.s32 s7, s2  }
0x1e: {  	s7 =	smul.u32 @!p0 $0xF7A, s2;
	p2 =	seq.s32 @!p0 s5, $0x0  }
0x1f: {  	s9 =	smul.u32 $0xF7A, s1;
	s8 =	simm.s32 @!p0 $0x1BF5;
	p2 =	por !p2, p0  }
0x20: {  	[sflag:s8] =	ssyncset.s32 @!p0 $0xFFFFF086;
	s6 =	sadd.s32 @!p0 s3, s7;
	s7 =	simm.s32 @!p0 $0x108  }
0x21: {  	s3 =	sadd.s32 s3, s9;
	s6 =	sadd.s32 @!p0 $0x88, s6;
	s7 =	simm.s32 @p2 $0x1082  }
0x22: {  	[simem:s7], [sflag:s8] =	dma.local @!p0 [hbm:s6], $0xF7A  }
0x23: {  	s9 =	sor.u32 $0xD0000000, s2;
	s6 =	simm.s32 $0x108;
	_ =	swait.ge @!p0 [sflag:s8], $0x0  }
0x24: {  	s3 =	sadd.s32 $0x88, s3;
	s6 =	simm.s32 @!p1 $0x1082;
	[sflag:s4] =	ssyncset.s32 $0xFFFFF086  }
0x25: {  	[simem:s6], [sflag:s4] =	dma.local [hbm:s3], $0xF7A  }
0x26: {  	[smem:$0x3FA0] =	sst s1;
	(tag) =	ssettag s2;
	_ =	strace s9  }
0x27: {  	s1 =	sld [smem:$0x3FB0]  }
0x28: {  	s2 =	sld [smem:$0x3FB1]  }
0x29: {  	s4 =	sld [smem:$0x3FB3]  }
0x2a: {  	p0 =	seq.s32 s5, $0x0;
	s5 =	sld [smem:$0x3FB4]  }
0x2b: {  	s6 =	sld [smem:$0x3FB5]  }
0x2c: {  	s7 =	sld [smem:$0x3FB6]  }
0x2d: {  	s3 =	simm.s32 $0x108;
	s8 =	sld [smem:$0x3FB7]  }
0x2e: {  	s3 =	simm.s32 @!p0 $0x1082;
	s9 =	sld [smem:$0x3FB8]  }
0x2f: {  	lr =	sadd.s32 s0, s3;
	s0 =	sld [smem:$0x3FAF]  }
0x30: {  	s3 =	sld [smem:$0x3FB2]  }
0x31: {  	[smem:$0x3FBB] =	sst s10  }
0x32: {  	s10 =	sld [smem:$0x3FB9];
	_ =	sdelay $0x3  }
0x33: {  	p0 =	seq.s32 s10, $0x1;
	s10 =	sld [smem:$0x3FBB];
	_ =	sdelay $0x3  }
0x34: {  	[smem:$0x3FBB] =	sst s10  }
0x35: {  	s10 =	sld [smem:$0x3FBA];
	_ =	sdelay $0x3  }
0x36: {  	p1 =	seq.s32 s10, $0x1;
	s10 =	sld [smem:$0x3FBB];
	_ =	sdelay $0x3  }
0x37: {  	[smem:$0x3FBB] =	sst s10  }
0x38: {  	s10 =	sld [smem:$0x3FBC]  }
0x39: {  	_ = 	snop;
	(pc) =	sbr.ind lr, $3  }
0x3a: {  	_ = 	snop  }
0x3b: {  	_ = 	snop  }
0x3c: {  	p2 =	seq.s32 s10, $0x1;
	s10 =	sld [smem:$0x3FBB]  }
0x3d: {  	_ =	shalt  }
0x3e: {  	_ =	shalt  }
0x3f: {  	_ =	shalt  }
0x40: {  	_ =	shalt  }
0x41: {  	_ =	shalt  }
0x42: {  	_ =	shalt  }
0x43: {  	_ =	shalt  }
0x44: {  	_ =	shalt  }
0x45: {  	_ =	shalt  }
0x46: {  	_ =	shalt  }
0x47: {  	_ =	shalt  }
0x48: {  	_ =	shalt  }
0x49: {  	_ =	shalt  }
0x4a: {  	_ =	shalt  }
0x4b: {  	_ =	shalt  }
0x4c: {  	_ =	shalt  }
0x4d: {  	_ =	shalt  }
0x4e: {  	_ =	shalt  }
0x4f: {  	_ =	shalt  }
0x50: {  	_ =	shalt  }
0x51: {  	_ =	shalt  }
0x52: {  	_ =	shalt  }
0x53: {  	_ =	shalt  }
0x54: {  	_ =	shalt  }
0x55: {  	_ =	shalt  }
0x56: {  	_ =	shalt  }
0x57: {  	_ =	shalt  }
0x58: {  	_ =	shalt  }
0x59: {  	_ =	shalt  }
0x5a: {  	_ =	shalt  }
0x5b: {  	_ =	shalt  }
0x5c: {  	_ =	shalt  }
0x5d: {  	_ =	shalt  }
0x5e: {  	_ =	shalt  }
0x5f: {  	_ =	shalt  }
0x60: {  	_ =	shalt  }
0x61: {  	_ =	shalt  }
0x62: {  	_ =	shalt  }
0x63: {  	_ =	shalt  }
0x64: {  	_ =	shalt  }
0x65: {  	_ =	shalt  }
0x66: {  	_ =	shalt  }
0x67: {  	_ =	shalt  }
0x68: {  	_ =	shalt  }
0x69: {  	_ =	shalt  }
0x6a: {  	_ =	shalt  }
0x6b: {  	_ =	shalt  }
0x6c: {  	_ =	shalt  }
0x6d: {  	_ =	shalt  }
0x6e: {  	_ =	shalt  }
0x6f: {  	_ =	shalt  }
0x70: {  	_ =	shalt  }
0x71: {  	_ =	shalt  }
0x72: {  	_ =	shalt  }
0x73: {  	_ =	shalt  }
0x74: {  	_ =	shalt  }
0x75: {  	_ =	shalt  }
0x76: {  	_ =	shalt  }
0x77: {  	_ =	shalt  }
0x78: {  	_ =	shalt  }
0x79: {  	_ =	shalt  }
0x7a: {  	_ =	shalt  }
0x7b: {  	_ =	shalt  }
0x7c: {  	_ =	shalt  }
0x7d: {  	_ =	shalt  }
0x7e: {  	_ =	shalt  }
0x7f: {  	_ =	shalt  }
0x80: {  	_ =	shalt  }
0x81: {  	_ =	shalt  }
0x82: {  	_ =	shalt  }
0x83: {  	_ =	shalt  }
0x84: {  	_ =	shalt  }
0x85: {  	_ =	shalt  }
0x86: {  	_ =	shalt  }
0x87: {  	_ =	shalt  }
.Lfunc_end0:
.L_simem_size_0:
called_computation.1_lowered:
.L_overlay_start_0:
0x88: {  	s2 =	sld [smem:$0x3FD9]  }
0x89: {  	s3 =	sld [smem:$0x3FFE];
	_ =	sdelay $0x1  }
0x8a: {  	s1 =	srdreg.scid  }
0x8b: {  	s0 =	sand.u32 $0x1, s1  }
0x8c: {  	s14 =	sshll.u32 s0, $0xA;
	s2 =	sadd.s32 s3, s2  }
0x8d: {  	s2 =	sadd.s32 s2, s14  }
0x8e: {  	[smem:$0x3FC7] =	sst s2  }
0x8f: {  	_ = 	snop  }
0x90: {  	s2 =	sld [smem:$0x3FD0];
	_ =	sdelay $0x2  }
0x91: {  	s15 =	simm.s32 $0xA;
	s4 =	simm.s32 $0x10  }
0x92: {  	[smem:s4], [sflag:s15] =	dma.local [hbm:s2], $0x1  }
0x93: {  	_ =	swait.eq [sflag:s15], $0x1  }
0x94: {  	[sflag:s15] =	ssyncset.done $0x0  }
0x95: {  	[sflag:s15] =	ssyncadd.s32 $0xFFFFFFFF  }
0x96: {  	s16 =	sld [smem:$0x11];
	(tm) =	ssettm $0x1  }
0x97: {  	s17 =	sld [smem:$0x3FFB];
	_ =	sdelay $0x3  }
0x98: {  	_ =	strace s17  }
0x99: {  	s3 =	sld [smem:$0x3FFC];
	_ =	sdelay $0x3  }
0x9a: {  	_ =	strace s3  }
0x9b: {  	s3 =	sld [smem:$0x3FFD];
	_ =	sdelay $0x3  }
0x9c: {  	_ =	strace s3  }
0x9d: {  	_ =	strace $0x8FFFFFFF  }
0x9e: {  	s18 =	sld [smem:$0x3FDB];
	_ =	sdelay $0x1  }
0x9f: {  	s19 =	simm.s32 $_scs_section_size  }
0xa0: {  	s5 =	simm.s32 $_size__tile_overlayer_lowered;
	s6 =	simm.s32 $_tile_overlayer_lowered  }
0xa1: {  	s22 =	simm.s32 $0x1BFF;
	s21 =	sshll.u32 s6, $0x1;
	s3 =	sadd.s32 s19, s18  }
0xa2: {  	s7 =	simm.s32 $0x0;
	s20 =	sshll.u32 s5, $0x1;
	s5 =	sadd.s32 s21, s3  }
0xa3: {  	[timem:s7], [sflag:s22] =	dma.local [hbm:s5], s20  }
0xa4: {  	_ =	swait.ge [sflag:s22], s20  }
0xa5: {  	s4 =	ssub.s32 $0x0, s20;
	[sflag:s22] =	ssyncset.done $0x0  }
0xa6: {  	[sflag:s22] =	ssyncadd.s32 s4;
	_ =	sdelay $0x1  }
0xa7: {  	s23 =	simm.s32 $0x1B8B  }
0xa8: {  	_ =	swait.ge [sflag:s23], $0x1  }
0xa9: {  	[sflag:s23] =	ssyncset.done $0x0  }
0xaa: {  	s25 =	simm.s32 $0x1B8E;
	s24 =	sld [smem:$0x3FFE];
	[sflag:s23] =	ssyncadd.s32 $0xFFFFFFFF  }
0xab: {  	s26 =	simm.s32 $execute0_lowered;
	[smem:$0x3FD2] =	sst s25  }
0xac: {  	s5 =	sshll.u32 s26, $0x1;
	_ =	strace $0x80000049;
	[dreg:$0x1] =	wrdreg $0xFFFFFFFF  }
0xad: {  	s28 =	simm.s32 $_size_execute0_lowered;
	s3 =	sadd.s32 s3, s5;
	[dreg:$0x0] =	wrdreg $0x0  }
0xae: {  	s5 =	sshll.u32 s28, $0x1;
	[dreg:$0x2] =	wrdreg s3  }
0xaf: {  	[dreg:$0x3] =	wrdreg s5  }
0xb0: {  	[dreg:$0x4] =	wrdreg $0xC0  }
0xb1: {  	_ =	task [dreg:s7], $0x5FFFF  }
0xb2: {  	[dreg:$0x1] =	wrdreg $0xFFFFFFFF  }
0xb3: {  	[dreg:$0x0] =	wrdreg $0x60  }
0xb4: {  	[dreg:$0x2] =	wrdreg s24  }
0xb5: {  	[dreg:$0x3] =	wrdreg s16  }
0xb6: {  	[dreg:$0x4] =	wrdreg $0x9  }
0xb7: {  	_ =	task.clear_ibuf [dreg:s7], $0x5FFFF;
	_ =	strace $0x90000049  }
0xb8: {  	s29 =	simm.s32 $0x9;
	_ =	strace $0x8000004B  }
0xb9: {  	_ =	swait.ge [sflag:s29], $0x1  }
0xba: {  	[sflag:s29] =	ssyncadd.s32 $0xFFFFFFFF  }
0xbb: {  	_ =	strace $0x9000004B  }
0xbc: {  	_ =	sfence  }
0xbd: {  	s30 =	sld [smem:$0x0];
	_ =	sdelay $0x2  }
0xbe: {  	s31 =	sshll.u32 s1, $0xD;
	s1 =	sshrl.u32 s1, $0x2  }
0xbf: {  	s3 =	sand.u32 $0x4000, s31;
	s1 =	sadd.s32 s1, s30  }
0xc0: {  	s0 =	sor.u32 s3, s0;
	s1 =	sshll.u32 s1, $0x11  }
0xc1: {  	s0 =	sor.u32 s1, s0  }
0xc2: {  	s0 =	sadd.s32 $0x8F2B, s0  }
0xc3: {  	[sflag:s0] =	ssyncadd.remote.s32 $0x1  }
0xc4: {  	_ =	sfence.sel $0xFFFF  }
0xc5: {  	[dreg:$0x0] =	wrdreg $0xFFFFFFFF;
	(pc) =	sbr.abs _section_cstart, $3  }
0xc6: {  	[dreg:$0x1] =	wrdreg $0xFFFFFFFF  }
0xc7: {  	_ =	task.clear_ibuf [dreg:s7], $0x2FFFF;
	_ =	strace $0x9FFFFFFF  }
0xc8: {  	(tm) =	ssettm $0x7FFFFFFF  }
0xc9: {  	_ =	shalt  }
tec
execute0_lowered:
.L_overlay_start_1:
0x0: {  	(tag) =	ssettag $0x1  }
0x1: {  	s0 =	rddreg [dreg:$0x0]  }
0x2: {  	s2 =	rddreg [dreg:$0x1]  }
0x3: {  	s3 =	srdreg.scid;
	s1 =	stileid.u32;
	s15 =	simm.s32 $0x1  }
0x4: {  	s16 =	simm.s32 $0x2;
	s17 =	simm.s32 $0x3;
	s18 =	simm.s32 $0x4  }
0x5: {  	s19 =	simm.s32 $0x5;
	s20 =	simm.s32 $0x6;
	s21 =	simm.s32 $0x7  }
0x6: {  	s22 =	simm.s32 $0x8;
	s23 =	simm.s32 $0x0;
	s6 =	sand.u32 $0x1, s3  }
0x7: {  	s3 =	simm.s32 $0x0;
	s4 =	sshll.u32 s1, $0x14;
	s5 =	sshll.u32 s6, $0x13  }
0x8: {  	[smem:$0x7FF] =	sst s3;
	s30 =	ssub.s32 $0x2, s6;
	s4 =	sor.u32 s5, s4  }
.Ltmp0:
0x9: {  	s5 =	sadd.s32 $0x800, s0;
	s7 =	sshrl.u32 s30, $0x1;
	(pc) =	sbr.rel .LBB2_1-.Ltmp0, $4  }
0xa: {  	_ =	strace $0x8000004A;
	s31 =	sshrl.u32 s4, $0x3;
	s0 =	ssub.s32 s30, s7  }
0xb: {  	s10 =	sor.u32 $0x10000, s4;
	s11 =	sor.u32 $0x14000, s4;
	s12 =	sor.u32 $0x18000, s4  }
0xc: {  	s13 =	sor.u32 $0x1C000, s4;
	s6 =	sadd.s32 s5, s31;
	s14 =	smax.u32 s0, $0x1  }
0xd: {  	s7 =	sadd.s32 $0x800, s6;
	s8 =	sadd.s32 $0x1000, s6;
	s9 =	sadd.s32 $0x1800, s6  }
.LBB2_34:
0xe: {  	_ =	swait.ge [sflag:s19], $0x4000  }
0xf: {  	[sflag:s19] =	ssyncset.done $0x0  }
0x10: {  	[sflag:s19] =	ssyncadd.s32 $0xFFFFC000  }
0x11: {  	_ =	swait.ge [sflag:s20], $0x4000  }
0x12: {  	[sflag:s20] =	ssyncset.done $0x0  }
0x13: {  	s23 =	sadd.s32 $0x1, s23;
	[sflag:s20] =	ssyncadd.s32 $0xFFFFC000  }
0x14: {  	p0 =	sne.s32 s23, s14;
	_ =	swait.ge [sflag:s21], $0x4000  }
.Ltmp1:
0x15: {  	[sflag:s21] =	ssyncset.done $0x0;
	(pc) =	sbr.rel @!p0 .LBB2_35-.Ltmp1, $4  }
0x16: {  	[sflag:s21] =	ssyncadd.s32 $0xFFFFC000  }
0x17: {  	_ =	swait.ge [sflag:s22], $0x4000  }
0x18: {  	[sflag:s22] =	ssyncset.done $0x0  }
0x19: {  	[sflag:s22] =	ssyncadd.s32 $0xFFFFC000  }
.LBB2_1:
0x1a: {  	s24 =	simm.s32 $0x10  }
0x1b: {  	s28 =	sadd.s32 $0x0, s6;
	s25 =	simm.s32 $0x200;
	s26 =	simm.s32 $0x0  }
.LBB2_2:
0x1c: {  	[tilespmem:s26], [sflag:$0x1] =	stream.linear.gather [hbm4b:s28+s3], $0x80, $0x38;
	[tilespmem:$0x10000] =	vst v63  }
0x1d: {  	s0 =	smov.u32 s24;
	s26 =	smov.u32 s25;
	p0 =	sne.s32 s24, $0x7F0  }
.Ltmp2:
0x1e: {  	s24 =	sadd.s32 $0x10, s24;
	(pc) =	sbr.rel @p0 .LBB2_2-.Ltmp2, $2  }
0x1f: {  	_ =	sdelay $0x2  }
0x20: {  	s25 =	sadd.s32 $0x200, s25;
	s28 =	sadd.s32 s0, s6  }
0x21: {  	[tilespmem:s26], [sflag:$0x1] =	stream.linear.gather [hbm4b:s28+s3], $0x80, $0x38;
	[tilespmem:$0x10000] =	vst v63  }
0x22: {  	s24 =	simm.s32 $0x80  }
0x23: {  	s25 =	simm.s32 $0x10;
	s28 =	sadd.s32 $0x0, s7;
	s26 =	simm.s32 $0x280  }
.LBB2_4:
0x24: {  	[tilespmem:s24], [sflag:$0x2] =	stream.linear.gather [hbm4b:s28+s3], $0x80, $0x38;
	[tilespmem:$0x10000] =	vst v63  }
0x25: {  	s0 =	smov.u32 s25;
	s24 =	smov.u32 s26;
	p0 =	sne.s32 s25, $0x7F0  }
.Ltmp3:
0x26: {  	s25 =	sadd.s32 $0x10, s25;
	(pc) =	sbr.rel @p0 .LBB2_4-.Ltmp3, $2  }
0x27: {  	_ =	sdelay $0x2  }
0x28: {  	s26 =	sadd.s32 $0x200, s26;
	s28 =	sadd.s32 s0, s7  }
0x29: {  	[tilespmem:s24], [sflag:$0x2] =	stream.linear.gather [hbm4b:s28+s3], $0x80, $0x38;
	[tilespmem:$0x10000] =	vst v63  }
0x2a: {  	s24 =	simm.s32 $0x100  }
0x2b: {  	s25 =	simm.s32 $0x10;
	s28 =	sadd.s32 $0x0, s8;
	s26 =	simm.s32 $0x300  }
.LBB2_6:
0x2c: {  	[tilespmem:s24], [sflag:$0x3] =	stream.linear.gather [hbm4b:s28+s3], $0x80, $0x38;
	[tilespmem:$0x10000] =	vst v63  }
0x2d: {  	s0 =	smov.u32 s25;
	s24 =	smov.u32 s26;
	p0 =	sne.s32 s25, $0x7F0  }
.Ltmp4:
0x2e: {  	s25 =	sadd.s32 $0x10, s25;
	(pc) =	sbr.rel @p0 .LBB2_6-.Ltmp4, $2  }
0x2f: {  	_ =	sdelay $0x2  }
0x30: {  	s26 =	sadd.s32 $0x200, s26;
	s28 =	sadd.s32 s0, s8  }
0x31: {  	[tilespmem:s24], [sflag:$0x3] =	stream.linear.gather [hbm4b:s28+s3], $0x80, $0x38;
	[tilespmem:$0x10000] =	vst v63  }
0x32: {  	s24 =	simm.s32 $0x0;
	s25 =	simm.s32 $0x180  }
0x33: {  	s26 =	simm.s32 $0x10;
	s29 =	sadd.s32 $0x0, s9;
	s28 =	simm.s32 $0x380  }
.LBB2_8:
0x34: {  	[tilespmem:s25], [sflag:$0x4] =	stream.linear.gather [hbm4b:s29+s24], $0x80, $0x38;
	[tilespmem:$0x10000] =	vst v63  }
0x35: {  	s0 =	smov.u32 s26;
	s25 =	smov.u32 s28;
	p0 =	sne.s32 s26, $0x7F0  }
.Ltmp5:
0x36: {  	s26 =	sadd.s32 $0x10, s26;
	(pc) =	sbr.rel @p0 .LBB2_8-.Ltmp5, $2  }
0x37: {  	_ =	sdelay $0x2  }
0x38: {  	s28 =	sadd.s32 $0x200, s28;
	s29 =	sadd.s32 s0, s9  }
0x39: {  	[tilespmem:s25], [sflag:$0x4] =	stream.linear.gather [hbm4b:s29+s24], $0x80, $0x38;
	[tilespmem:$0x10000] =	vst v63  }
.LBB2_10:
0x3a: {  	s25 =	sshll.u32 s24, $0x10  }
0x3b: {  	s0 =	sor.u32 s4, s25  }
0x3c: {  	_ =	swait.ge [sflag:s15], $0x4000;
	s29 =	simm.s32 $0x0;
	s26 =	sshrl.u32 s0, $0x3  }
0x3d: {  	s30 =	simm.s32 $0x10;
	[sflag:s15] =	ssyncset.done $0x0;
	s28 =	sadd.s32 s2, s26  }
0x3e: {  	s31 =	simm.s32 $0x200;
	[sflag:s15] =	ssyncadd.s32 $0xFFFFC000;
	s0 =	sadd.s32 $0x0, s28  }
.LBB2_11:
0x3f: {  	[hbm4b:s0+s3] =	stream.linear.scatter [tilespmem:s29], [sflag:$0x5], $0x80, $0x38;
	[tilespmem:$0x10000] =	vst v63  }
0x40: {  	s0 =	smov.u32 s30;
	s29 =	smov.u32 s31;
	p0 =	sne.s32 s30, $0x7F0  }
.Ltmp6:
0x41: {  	s30 =	sadd.s32 $0x10, s30;
	(pc) =	sbr.rel @p0 .LBB2_11-.Ltmp6, $2  }
0x42: {  	_ =	sdelay $0x2  }
0x43: {  	s31 =	sadd.s32 $0x200, s31;
	s0 =	sadd.s32 s0, s28  }
0x44: {  	p0 =	seq.s32 s24, $0x7  }
.Ltmp7:
0x45: {  	_ = 	snop;
	(pc) =	sbr.rel @p0 .LBB2_16-.Ltmp7, $2  }
0x46: {  	_ =	sdelay $0x2  }
0x47: {  	[hbm4b:s0+s3] =	stream.linear.scatter [tilespmem:s29], [sflag:$0x5], $0x80, $0x38;
	[tilespmem:$0x10000] =	vst v63  }
0x48: {  	s0 =	sadd.s32 s25, s10  }
0x49: {  	_ =	swait.ge [sflag:s19], $0x4000;
	s29 =	simm.s32 $0x0;
	s0 =	sshrl.u32 s0, $0x3  }
0x4a: {  	s30 =	simm.s32 $0x10;
	[sflag:s19] =	ssyncset.done $0x0;
	s28 =	sadd.s32 s5, s0  }
0x4b: {  	s31 =	simm.s32 $0x200;
	[sflag:s19] =	ssyncadd.s32 $0xFFFFC000;
	s0 =	sadd.s32 $0x0, s28  }
.LBB2_14:
0x4c: {  	[tilespmem:s29], [sflag:$0x1] =	stream.linear.gather [hbm4b:s0+s3], $0x80, $0x38;
	[tilespmem:$0x10000] =	vst v63  }
0x4d: {  	s0 =	smov.u32 s30;
	s29 =	smov.u32 s31;
	p1 =	sne.s32 s30, $0x7F0  }
.Ltmp8:
0x4e: {  	s30 =	sadd.s32 $0x10, s30;
	(pc) =	sbr.rel @p1 .LBB2_14-.Ltmp8, $2  }
0x4f: {  	_ =	sdelay $0x2  }
0x50: {  	s31 =	sadd.s32 $0x200, s31;
	s0 =	sadd.s32 s0, s28  }
0x51: {  	[tilespmem:s29], [sflag:$0x1] =	stream.linear.gather [hbm4b:s0+s3], $0x80, $0x38;
	[tilespmem:$0x10000] =	vst v63  }
.LBB2_16:
0x52: {  	_ =	swait.ge [sflag:s16], $0x4000;
	s26 =	sadd.s32 s26, s2;
	s29 =	simm.s32 $0x80  }
0x53: {  	s30 =	simm.s32 $0x10;
	[sflag:s16] =	ssyncset.done $0x0;
	s28 =	sadd.s32 $0x800, s26  }
0x54: {  	s31 =	simm.s32 $0x280;
	[sflag:s16] =	ssyncadd.s32 $0xFFFFC000;
	s0 =	sadd.s32 $0x0, s28  }
.LBB2_17:
0x55: {  	[hbm4b:s0+s3] =	stream.linear.scatter [tilespmem:s29], [sflag:$0x6], $0x80, $0x38;
	[tilespmem:$0x10000] =	vst v63  }
0x56: {  	s0 =	smov.u32 s30;
	s29 =	smov.u32 s31;
	p1 =	sne.s32 s30, $0x7F0  }
.Ltmp9:
0x57: {  	s30 =	sadd.s32 $0x10, s30;
	(pc) =	sbr.rel @p1 .LBB2_17-.Ltmp9, $2  }
0x58: {  	_ =	sdelay $0x2  }
0x59: {  	s31 =	sadd.s32 $0x200, s31;
	s0 =	sadd.s32 s0, s28  }
.Ltmp10:
0x5a: {  	(pc) =	sbr.rel @p0 .LBB2_22-.Ltmp10, $2  }
0x5b: {  	_ =	sdelay $0x2  }
0x5c: {  	[hbm4b:s0+s3] =	stream.linear.scatter [tilespmem:s29], [sflag:$0x6], $0x80, $0x38;
	[tilespmem:$0x10000] =	vst v63  }
0x5d: {  	s0 =	sadd.s32 s25, s11  }
0x5e: {  	_ =	swait.ge [sflag:s20], $0x4000;
	s29 =	simm.s32 $0x80;
	s0 =	sshrl.u32 s0, $0x3  }
0x5f: {  	s30 =	simm.s32 $0x10;
	[sflag:s20] =	ssyncset.done $0x0;
	s28 =	sadd.s32 s5, s0  }
0x60: {  	s31 =	simm.s32 $0x280;
	[sflag:s20] =	ssyncadd.s32 $0xFFFFC000;
	s0 =	sadd.s32 $0x0, s28  }
.LBB2_20:
0x61: {  	[tilespmem:s29], [sflag:$0x2] =	stream.linear.gather [hbm4b:s0+s3], $0x80, $0x38;
	[tilespmem:$0x10000] =	vst v63  }
0x62: {  	s0 =	smov.u32 s30;
	s29 =	smov.u32 s31;
	p1 =	sne.s32 s30, $0x7F0  }
.Ltmp11:
0x63: {  	s30 =	sadd.s32 $0x10, s30;
	(pc) =	sbr.rel @p1 .LBB2_20-.Ltmp11, $2  }
0x64: {  	_ =	sdelay $0x2  }
0x65: {  	s31 =	sadd.s32 $0x200, s31;
	s0 =	sadd.s32 s0, s28  }
0x66: {  	[tilespmem:s29], [sflag:$0x2] =	stream.linear.gather [hbm4b:s0+s3], $0x80, $0x38;
	[tilespmem:$0x10000] =	vst v63  }
.LBB2_22:
0x67: {  	_ =	swait.ge [sflag:s17], $0x4000;
	s28 =	sadd.s32 $0x1000, s26  }
0x68: {  	s29 =	simm.s32 $0x100;
	s30 =	simm.s32 $0x10;
	[sflag:s17] =	ssyncset.done $0x0  }
0x69: {  	s31 =	simm.s32 $0x300;
	s0 =	sadd.s32 $0x0, s28;
	[sflag:s17] =	ssyncadd.s32 $0xFFFFC000  }
.LBB2_23:
0x6a: {  	[hbm4b:s0+s3] =	stream.linear.scatter [tilespmem:s29], [sflag:$0x7], $0x80, $0x38;
	[tilespmem:$0x10000] =	vst v63  }
0x6b: {  	s0 =	smov.u32 s30;
	s29 =	smov.u32 s31;
	p1 =	sne.s32 s30, $0x7F0  }
.Ltmp12:
0x6c: {  	s30 =	sadd.s32 $0x10, s30;
	(pc) =	sbr.rel @p1 .LBB2_23-.Ltmp12, $2  }
0x6d: {  	_ =	sdelay $0x2  }
0x6e: {  	s31 =	sadd.s32 $0x200, s31;
	s0 =	sadd.s32 s0, s28  }
.Ltmp13:
0x6f: {  	(pc) =	sbr.rel @p0 .LBB2_28-.Ltmp13, $2  }
0x70: {  	_ =	sdelay $0x2  }
0x71: {  	[hbm4b:s0+s3] =	stream.linear.scatter [tilespmem:s29], [sflag:$0x7], $0x80, $0x38;
	[tilespmem:$0x10000] =	vst v63  }
0x72: {  	s0 =	sadd.s32 s25, s12  }
0x73: {  	_ =	swait.ge [sflag:s21], $0x4000;
	s29 =	simm.s32 $0x100;
	s0 =	sshrl.u32 s0, $0x3  }
0x74: {  	s30 =	simm.s32 $0x10;
	[sflag:s21] =	ssyncset.done $0x0;
	s28 =	sadd.s32 s5, s0  }
0x75: {  	s31 =	simm.s32 $0x300;
	[sflag:s21] =	ssyncadd.s32 $0xFFFFC000;
	s0 =	sadd.s32 $0x0, s28  }
.LBB2_26:
0x76: {  	[tilespmem:s29], [sflag:$0x3] =	stream.linear.gather [hbm4b:s0+s3], $0x80, $0x38;
	[tilespmem:$0x10000] =	vst v63  }
0x77: {  	s0 =	smov.u32 s30;
	s29 =	smov.u32 s31;
	p1 =	sne.s32 s30, $0x7F0  }
.Ltmp14:
0x78: {  	s30 =	sadd.s32 $0x10, s30;
	(pc) =	sbr.rel @p1 .LBB2_26-.Ltmp14, $2  }
0x79: {  	_ =	sdelay $0x2  }
0x7a: {  	s31 =	sadd.s32 $0x200, s31;
	s0 =	sadd.s32 s0, s28  }
0x7b: {  	[tilespmem:s29], [sflag:$0x3] =	stream.linear.gather [hbm4b:s0+s3], $0x80, $0x38;
	[tilespmem:$0x10000] =	vst v63  }
.LBB2_28:
0x7c: {  	_ =	swait.ge [sflag:s18], $0x4000;
	s26 =	sadd.s32 $0x1800, s26  }
0x7d: {  	s28 =	simm.s32 $0x180;
	s29 =	simm.s32 $0x10;
	[sflag:s18] =	ssyncset.done $0x0  }
0x7e: {  	s30 =	simm.s32 $0x380;
	s0 =	sadd.s32 $0x0, s26;
	[sflag:s18] =	ssyncadd.s32 $0xFFFFC000  }
.LBB2_29:
0x7f: {  	[hbm4b:s0+s3] =	stream.linear.scatter [tilespmem:s28], [sflag:$0x8], $0x80, $0x38;
	[tilespmem:$0x10000] =	vst v63  }
0x80: {  	s0 =	smov.u32 s29;
	s28 =	smov.u32 s30;
	p1 =	sne.s32 s29, $0x7F0  }
.Ltmp15:
0x81: {  	s29 =	sadd.s32 $0x10, s29;
	(pc) =	sbr.rel @p1 .LBB2_29-.Ltmp15, $2  }
0x82: {  	_ =	sdelay $0x2  }
0x83: {  	s30 =	sadd.s32 $0x200, s30;
	s0 =	sadd.s32 s0, s26  }
.Ltmp16:
0x84: {  	(pc) =	sbr.rel @p0 .LBB2_34-.Ltmp16, $2  }
0x85: {  	_ =	sdelay $0x2  }
0x86: {  	[hbm4b:s0+s3] =	stream.linear.scatter [tilespmem:s28], [sflag:$0x8], $0x80, $0x38;
	[tilespmem:$0x10000] =	vst v63  }
0x87: {  	s0 =	sadd.s32 s25, s13  }
0x88: {  	_ =	swait.ge [sflag:s22], $0x4000;
	s26 =	simm.s32 $0x180;
	s0 =	sshrl.u32 s0, $0x3  }
0x89: {  	s28 =	simm.s32 $0x10;
	[sflag:s22] =	ssyncset.done $0x0;
	s25 =	sadd.s32 s5, s0  }
0x8a: {  	s29 =	simm.s32 $0x380;
	[sflag:s22] =	ssyncadd.s32 $0xFFFFC000;
	s0 =	sadd.s32 $0x0, s25  }
.LBB2_32:
0x8b: {  	[tilespmem:s26], [sflag:$0x4] =	stream.linear.gather [hbm4b:s0+s3], $0x80, $0x38;
	[tilespmem:$0x10000] =	vst v63  }
0x8c: {  	s0 =	smov.u32 s28;
	s26 =	smov.u32 s29;
	p0 =	sne.s32 s28, $0x7F0  }
.Ltmp17:
0x8d: {  	s28 =	sadd.s32 $0x10, s28;
	(pc) =	sbr.rel @p0 .LBB2_32-.Ltmp17, $2  }
0x8e: {  	_ =	sdelay $0x2  }
0x8f: {  	s29 =	sadd.s32 $0x200, s29;
	s0 =	sadd.s32 s0, s25  }
.Ltmp18:
0x90: {  	(pc) =	sbr.rel .LBB2_10-.Ltmp18, $3  }
0x91: {  	_ =	sdelay $0x1  }
0x92: {  	[tilespmem:s26], [sflag:$0x4] =	stream.linear.gather [hbm4b:s0+s3], $0x80, $0x38;
	[tilespmem:$0x10000] =	vst v63  }
0x93: {  	s24 =	sadd.s32 $0x1, s24  }
.LBB2_35:
0x94: {  	_ =	sfence.sel $0x180000  }
0x95: {  	[bflag:$0x0] =	sbarrier.arrive $0xFFFF  }
0x96: {  	_ =	strace $0x9000004A  }
0x97: {  	[bflag:$0x2] =	sbarrier.arrive $0xFFFF  }
0x98: {  	p0 =	sne.s32 s1, $0x0;
	s0 =	rddreg [dreg:$0x2]  }
0x99: {  	s0 =	sadd.s32 @!p0 $0x100000, s0  }
0x9a: {  	[sflag:s0] =	ssyncadd.tile.s32 @!p0 $0x1;
	_ =	shalt  }
.Lfunc_end2:
_tile_overlayer_lowered:
.L_overlay_start_2:
0x9b: {  	(tag) =	ssettag $0x2  }
0x9c: {  	s0 =	rddreg [dreg:$0x0];
	s2 =	stileid.u32  }
0x9d: {  	s1 =	rddreg [dreg:$0x1];
	p0 =	sne.s32 s2, $0x0  }
0x9e: {  	s3 =	rddreg [dreg:$0x2];
	[bflag:$0x3] =	sbarrier.arrive $0xFFFF;
	s2 =	simm.s32 @!p0 $0x1C09  }
0x9f: {  	[timem:s3], [sflag:s2] =	dma.local @!p0 [hbm:s0], s1  }
0xa0: {  	s0 =	simm.s32 @!p0 $0x9  }
0xa1: {  	_ =	swait.ge @!p0 [sflag:s0], s1  }
0xa2: {  	s1 =	ssub.s32 @!p0 $0x0, s1;
	[sflag:s0] =	ssyncset.done @!p0 $0x0  }
0xa3: {  	[sflag:s0] =	ssyncadd.s32 @!p0 s1  }
0xa4: {  	[bflag:$0x3] =	sbarrier.arrive $0xFFFF  }
0xa5: {  	_ =	shalt  }

// kernel: sparse-core-data-format-call.cloned.1.call-start
scs
called_computation_lowered:
.L_overlay_start_0:
0x0: {  	s2 =	sld [smem:$0x3FD9]  }
0x1: {  	s3 =	sld [smem:$0x3FFE];
	_ =	sdelay $0x1  }
0x2: {  	s1 =	srdreg.scid  }
0x3: {  	s0 =	sand.u32 $0x1, s1  }
0x4: {  	s18 =	sshll.u32 s0, $0xA;
	s2 =	sadd.s32 s3, s2  }
0x5: {  	s2 =	sadd.s32 s2, s18  }
0x6: {  	[smem:$0x3FC7] =	sst s2  }
0x7: {  	_ = 	snop  }
0x8: {  	s2 =	sld [smem:$0x3FC9];
	(tm) =	ssettm $0x1  }
0x9: {  	s19 =	sld [smem:$0x3FFB];
	_ =	sdelay $0x3  }
0xa: {  	_ =	strace s19  }
0xb: {  	s3 =	sld [smem:$0x3FFC];
	_ =	sdelay $0x3  }
0xc: {  	_ =	strace s3  }
0xd: {  	s3 =	sld [smem:$0x3FFD];
	_ =	sdelay $0x3  }
0xe: {  	_ =	strace s3  }
0xf: {  	_ =	strace $0x8FFFFFFF  }
0x10: {  	s20 =	sld [smem:$0x3FDB];
	_ =	sdelay $0x1  }
0x11: {  	s4 =	simm.s32 $_scs_section_size  }
0x12: {  	s5 =	simm.s32 $_size__tile_overlayer_lowered;
	s6 =	simm.s32 $_tile_overlayer_lowered  }
0x13: {  	s23 =	simm.s32 $0x1BFF;
	s22 =	sshll.u32 s6, $0x1;
	s3 =	sadd.s32 s4, s20  }
0x14: {  	s7 =	simm.s32 $0x0;
	s21 =	sshll.u32 s5, $0x1;
	s5 =	sadd.s32 s22, s3  }
0x15: {  	[timem:s7], [sflag:s23] =	dma.local [hbm:s5], s21  }
0x16: {  	_ =	swait.ge [sflag:s23], s21  }
0x17: {  	s4 =	ssub.s32 $0x0, s21;
	[sflag:s23] =	ssyncset.done $0x0  }
0x18: {  	[sflag:s23] =	ssyncadd.s32 s4;
	_ =	sdelay $0x1  }
0x19: {  	s24 =	simm.s32 $0x1B8B  }
0x1a: {  	_ =	swait.ge [sflag:s24], $0x1  }
0x1b: {  	[sflag:s24] =	ssyncset.done $0x0  }
0x1c: {  	s26 =	simm.s32 $0x1B8E;
	s25 =	sld [smem:$0x3FFE];
	[sflag:s24] =	ssyncadd.s32 $0xFFFFFFFF  }
0x1d: {  	s27 =	simm.s32 $execute0_lowered;
	[smem:$0x3FD2] =	sst s26  }
0x1e: {  	s5 =	sshll.u32 s27, $0x1;
	_ =	strace $0x80000046;
	[dreg:$0x1] =	wrdreg $0xFFFFFFFF  }
0x1f: {  	s28 =	simm.s32 $_size_execute0_lowered;
	s3 =	sadd.s32 s3, s5;
	[dreg:$0x0] =	wrdreg $0x0  }
0x20: {  	s5 =	sshll.u32 s28, $0x1;
	[dreg:$0x2] =	wrdreg s3  }
0x21: {  	[dreg:$0x3] =	wrdreg s5  }
0x22: {  	[dreg:$0x4] =	wrdreg $0xC0  }
0x23: {  	_ =	task [dreg:s7], $0x5FFFF  }
0x24: {  	[dreg:$0x1] =	wrdreg $0xFFFFFFFF  }
0x25: {  	[dreg:$0x0] =	wrdreg $0x60  }
0x26: {  	[dreg:$0x2] =	wrdreg s2  }
0x27: {  	[dreg:$0x3] =	wrdreg s25  }
0x28: {  	[dreg:$0x4] =	wrdreg $0x9  }
0x29: {  	_ =	task.clear_ibuf [dreg:s7], $0x5FFFF;
	_ =	strace $0x90000046  }
0x2a: {  	s29 =	simm.s32 $0x9;
	_ =	strace $0x80000048  }
0x2b: {  	_ =	swait.ge [sflag:s29], $0x1  }
0x2c: {  	[sflag:s29] =	ssyncadd.s32 $0xFFFFFFFF  }
0x2d: {  	_ =	strace $0x90000048  }
0x2e: {  	_ =	sfence  }
0x2f: {  	s30 =	sld [smem:$0x0];
	_ =	sdelay $0x2  }
0x30: {  	s31 =	sshll.u32 s1, $0xD;
	s1 =	sshrl.u32 s1, $0x2  }
0x31: {  	s3 =	sand.u32 $0x4000, s31;
	s1 =	sadd.s32 s1, s30  }
0x32: {  	s0 =	sor.u32 s3, s0;
	s1 =	sshll.u32 s1, $0x11  }
0x33: {  	s0 =	sor.u32 s1, s0  }
0x34: {  	s0 =	sadd.s32 $0x8F2B, s0  }
0x35: {  	[sflag:s0] =	ssyncadd.remote.s32 $0x1  }
0x36: {  	_ =	sfence.sel $0xFFFF  }
0x37: {  	[dreg:$0x0] =	wrdreg $0xFFFFFFFF;
	(pc) =	sbr.abs _section_cstart, $3  }
0x38: {  	[dreg:$0x1] =	wrdreg $0xFFFFFFFF  }
0x39: {  	_ =	task.clear_ibuf [dreg:s7], $0x2FFFF;
	_ =	strace $0x9FFFFFFF  }
0x3a: {  	(tm) =	ssettm $0x7FFFFFFF  }
0x3b: {  	_ =	shalt  }
tec
execute0_lowered:
.L_overlay_start_1:
0x0: {  	(tag) =	ssettag $0x1  }
0x1: {  	s2 =	rddreg [dreg:$0x0]  }
0x2: {  	s1 =	rddreg [dreg:$0x1]  }
0x3: {  	s0 =	rddreg [dreg:$0x2];
	_ =	strace $0x80000047;
	s4 =	srdreg.scid  }
0x4: {  	s6 =	simm.s32 $0x2;
	s11 =	simm.s32 $0x0;
	p0 =	por $0x0, $0x0  }
.Ltmp0:
0x5: {  	s7 =	simm.s32 $0x1000;
	s12 =	simm.s32 $0x0;
	(pc) =	sbr.rel .LBB1_1-.Ltmp0, $4  }
0x6: {  	s9 =	simm.s32 $0x0;
	s3 =	sadd.s32 $0x800, s1;
	s5 =	sshll.u32 s4, $0x4  }
0x7: {  	s1 =	stileid.u32;
	s4 =	simm.s32 $0x1;
	s5 =	sand.u32 $0x10, s5  }
0x8: {  	s8 =	simm.s32 $0x0;
	[sflag:s4] =	ssyncpa.u1 $0x0;
	s5 =	sor.u32 s1, s5  }
0x9: {  	[sflag:s6] =	ssyncpa.u1 $0x0;
	s6 =	simm.s32 $0x800;
	s10 =	smov.u32 s5  }
.LBB1_7:
0xa: {  	s13 =	sadd.s32 $0x10, s9  }
0xb: {  	s11 =	sadd.s32 $0x20, s10;
	s15 =	smov.u32 s10;
	p2 =	sgt.s32 s13, $0x1F  }
0xc: {  	p1 =	slt.u32 s8, $0x2;
	s15 =	smov.u32 @p2 s11  }
0xd: {  	s8 =	sadd.s32 $0x1, s8;
	s13 =	simm.s32 @p2 $0x0;
	p2 =	sgt.s32 s15, $0x7FF  }
0xe: {  	s15 =	smov.u32 @p2 s5;
	p2 =	sne.s32 s8, $0x82  }
.Ltmp1:
0xf: {  	_ = 	snop;
	(pc) =	sbr.rel @!p2 .LBB1_8-.Ltmp1, $4  }
0x10: {  	s14 =	simm.s32 @!p1 $0x2  }
0x11: {  	s12 =	smov.u32 s10;
	_ =	swait.ge @!p1 [sflag:s14], $0x4000  }
0x12: {  	p0 =	por !p0, !p0;
	s11 =	smov.u32 s9;
	[sflag:s14] =	ssyncset.done @!p1 $0x0  }
0x13: {  	s9 =	smov.u32 s13;
	[sflag:s14] =	ssyncadd.s32 @!p1 $0xFFFFC000;
	s10 =	smov.u32 s15  }
.LBB1_1:
0x14: {  	p1 =	sgt.u32 s8, $0x7F  }
0x15: {  	s13 =	sxor.u32 @!p1 $0xFFFFFFFF, s8;
	s14 =	sshll.u32 @!p1 s10, $0xC  }
0x16: {  	s15 =	sshll.u32 @!p1 s9, $0x7;
	s13 =	sshll.u32 @!p1 s13, $0xE;
	s14 =	sadd.s32 @!p1 s2, s14  }
0x17: {  	s13 =	sand.u32 @!p1 $0x4000, s13;
	s14 =	sadd.s32 @!p1 s15, s14;
	s15 =	simm.s32 @!p1 $0x0  }
0x18: {  	[tilespmem:s13], [sflag:$0x1] =	stream.linear.gather @!p1 [hbm4b:s14+s15], $0x4000, $0x38;
	[tilespmem:$0x10000] =	vst v63  }
0x19: {  	p1 =	seq.s32 s8, $0x0  }
0x1a: {  	p2 =	seq.s32 @!p1 s8, $0x81  }
0x1b: {  	p1 =	por p1, p2  }
.Ltmp2:
0x1c: {  	_ = 	snop;
	(pc) =	sbr.rel @p1 .LBB1_7-.Ltmp2, $1  }
0x1d: {  	_ =	sdelay $0x3  }
0x1e: {  	s13 =	simm.s32 $0x1;
	_ =	swait.ge [sflag:s4], $0x4000;
	s16 =	sshll.u32 s8, $0xE  }
0x1f: {  	s13 =	simm.s32 @!p0 $0x0;
	[sflag:s4] =	ssyncset.done $0x0;
	s31 =	sand.u32 $0x4000, s16  }
0x20: {  	s16 =	simm.s32 $0x0;
	s14 =	sshll.u32 s13, $0xE;
	[sflag:s4] =	ssyncadd.s32 $0xFFFFC000  }
0x21: {  	s13 =	sor.u32 $0x8040, s14;
	s15 =	sor.u32 $0x40, s14;
	s14 =	sor.u32 $0x8000, s31  }
.LBB1_3:
0x22: {  	v0 =	vmov s15;
	_ =	sdelay $0x3  }
0x23: {  	s18 =	simm.s32 $0x0  }
0x24: {  	v6 =	vld.idx.msk [tilespmem:v0+s18+$0x30 ss:$0x1], $0xffff  }
0x25: {  	v7 =	vld.idx.msk [tilespmem:v0+s18+$0xFFFFFFC0 ss:$0x1], $0xffff  }
0x26: {  	v5 =	vld.idx.msk [tilespmem:v0+s18+$0xFFFFFFD0 ss:$0x1], $0xffff  }
0x27: {  	v4 =	vld.idx.msk [tilespmem:v0+s18+$0xFFFFFFE0 ss:$0x1], $0xffff  }
0x28: {  	v3 =	vld.idx.msk [tilespmem:v0+s18+$0xFFFFFFF0 ss:$0x1], $0xffff  }
0x29: {  	v1 =	vld.idx.msk [tilespmem:v0+s18+$0x0 ss:$0x1], $0xffff  }
0x2a: {  	v2 =	vld.idx.msk [tilespmem:v0+s18+$0x10 ss:$0x1], $0xffff;
	[tilespmem:s13+$0x30] =	vst v6  }
0x2b: {  	s17 =	simm.s32 $0x80;
	s19 =	simm.s32 $0x400;
	[tilespmem:s13+$0xFFFFFFC0] =	vst v7;
	v6 =	vld.idx.msk [tilespmem:v0+s18+$0x20 ss:$0x1], $0xffff;
	s18 =	smov.u32 s13  }
.LBB1_4:
0x2c: {  	p1 =	sne.s32 s19, $0xE00;
	v7 =	vld.idx.msk [tilespmem:v0+s17+$0x30 ss:$0x1], $0xffff;
	[tilespmem:s18+$0xFFFFFFD0] =	vst v5  }
0x2d: {  	v8 =	vld.idx.msk [tilespmem:v0+s17+$0xFFFFFFC0 ss:$0x1], $0xffff;
	[tilespmem:s18+$0xFFFFFFE0] =	vst v4  }
0x2e: {  	v5 =	vld.idx.msk [tilespmem:v0+s17+$0xFFFFFFD0 ss:$0x1], $0xffff;
	[tilespmem:s18+$0xFFFFFFF0] =	vst v3  }
.Ltmp3:
0x2f: {  	v4 =	vld.idx.msk [tilespmem:v0+s17+$0xFFFFFFE0 ss:$0x1], $0xffff;
	[tilespmem:s18+$0x0] =	vst v1;
	(pc) =	sbr.rel @p1 .LBB1_4-.Ltmp3, $4  }
0x30: {  	v3 =	vld.idx.msk [tilespmem:v0+s17+$0xFFFFFFF0 ss:$0x1], $0xffff;
	[tilespmem:s18+$0x10] =	vst v2  }
0x31: {  	v1 =	vld.idx.msk [tilespmem:v0+s17+$0x0 ss:$0x1], $0xffff;
	[tilespmem:s18+$0x20] =	vst v6;
	s18 =	sadd.s32 $0x800, s18  }
0x32: {  	v2 =	vld.idx.msk [tilespmem:v0+s17+$0x10 ss:$0x1], $0xffff;
	[tilespmem:s18+$0x30] =	vst v7  }
0x33: {  	[tilespmem:s18+$0xFFFFFFC0] =	vst v8;
	v6 =	vld.idx.msk [tilespmem:v0+s17+$0x20 ss:$0x1], $0xffff;
	s17 =	sshra.s32 s19, $0x2;
	s19 =	sadd.s32 $0x200, s19  }
0x34: {  	_ =	sdelay $0x2  }
0x35: {  	[tilespmem:s18+$0xFFFFFFD0] =	vst v5  }
0x36: {  	v56 =	vld.idx.msk [tilespmem:v0+s17+$0x30 ss:$0x1], $0xffff;
	[tilespmem:s18+$0xFFFFFFE0] =	vst v4  }
0x37: {  	v57 =	vld.idx.msk [tilespmem:v0+s17+$0xFFFFFFC0 ss:$0x1], $0xffff;
	[tilespmem:s18+$0xFFFFFFF0] =	vst v3  }
0x38: {  	v58 =	vld.idx.msk [tilespmem:v0+s17+$0xFFFFFFD0 ss:$0x1], $0xffff;
	[tilespmem:s18+$0x0] =	vst v1  }
0x39: {  	v59 =	vld.idx.msk [tilespmem:v0+s17+$0xFFFFFFE0 ss:$0x1], $0xffff;
	[tilespmem:s18+$0x10] =	vst v2  }
0x3a: {  	v60 =	vld.idx.msk [tilespmem:v0+s17+$0xFFFFFFF0 ss:$0x1], $0xffff;
	s31 =	sadd.s32 $0x800, s18;
	[tilespmem:s18+$0x20] =	vst v6  }
0x3b: {  	v61 =	vld.idx.msk [tilespmem:v0+s17+$0x0 ss:$0x1], $0xffff;
	[tilespmem:s31+$0x30] =	vst v56  }
0x3c: {  	v62 =	vld.idx.msk [tilespmem:v0+s17+$0x10 ss:$0x1], $0xffff;
	s16 =	sadd.s32 $0x1, s16;
	[tilespmem:s31+$0xFFFFFFC0] =	vst v57  }
0x3d: {  	v63 =	vld.idx.msk [tilespmem:v0+s17+$0x20 ss:$0x1], $0xffff;
	p1 =	sne.s32 s16, $0x10;
	[tilespmem:s31+$0xFFFFFFD0] =	vst v58  }
.Ltmp4:
0x3e: {  	[tilespmem:s31+$0xFFFFFFE0] =	vst v59;
	(pc) =	sbr.rel @p1 .LBB1_3-.Ltmp4, $4  }
0x3f: {  	[tilespmem:s31+$0xFFFFFFF0] =	vst v60  }
0x40: {  	[tilespmem:s31+$0x0] =	vst v61  }
0x41: {  	[tilespmem:s31+$0x10] =	vst v62  }
0x42: {  	s13 =	sadd.s32 $0x80, s13;
	s15 =	sadd.s32 $0x400, s15;
	[tilespmem:s31+$0x20] =	vst v63  }
.Ltmp5:
0x43: {  	(pc) =	sbr.rel .LBB1_7-.Ltmp5, $4  }
0x44: {  	s12 =	sshll.u32 s12, $0xC;
	s11 =	sshll.u32 s11, $0x4  }
0x45: {  	s11 =	sand.u32 $0x1F0, s11;
	s12 =	sadd.s32 s3, s12  }
0x46: {  	s11 =	sadd.s32 s11, s12  }
0x47: {  	[hbm4b:s11+s6] =	stream.strided.scatter [tilespmem:s14], [sflag:$0x2], $0x4000, s7, s6, $0x38;
	[tilespmem:$0x10000] =	vst v63  }
.LBB1_8:
0x48: {  	_ =	sfence.sel $0x180000  }
0x49: {  	s2 =	simm.s32 $0x1;
	[bflag:$0x0] =	sbarrier.arrive $0xFFFF  }
0x4a: {  	s31 =	simm.s32 $0x2;
	[sflag:s2] =	ssyncpa.u1 $0x1  }
0x4b: {  	[sflag:s31] =	ssyncpa.u1 $0x1  }
0x4c: {  	p0 =	sne.s32 s1, $0x0;
	_ =	strace $0x90000047  }
0x4d: {  	s0 =	sadd.s32 @!p0 $0x100000, s0;
	[bflag:$0x2] =	sbarrier.arrive $0xFFFF  }
0x4e: {  	[sflag:s0] =	ssyncadd.tile.s32 @!p0 $0x1;
	_ =	shalt  }
.Lfunc_end1:
_tile_overlayer_lowered:
.L_overlay_start_2:
0x4f: {  	(tag) =	ssettag $0x2  }
0x50: {  	s0 =	rddreg [dreg:$0x0];
	s2 =	stileid.u32  }
0x51: {  	s1 =	rddreg [dreg:$0x1];
	p0 =	sne.s32 s2, $0x0  }
0x52: {  	s3 =	rddreg [dreg:$0x2];
	[bflag:$0x3] =	sbarrier.arrive $0xFFFF;
	s2 =	simm.s32 @!p0 $0x1C01  }
0x53: {  	[timem:s3], [sflag:s2] =	dma.local @!p0 [hbm:s0], s1  }
0x54: {  	s0 =	simm.s32 @!p0 $0x1  }
0x55: {  	_ =	swait.ge @!p0 [sflag:s0], s1  }
0x56: {  	s1 =	ssub.s32 @!p0 $0x0, s1;
	[sflag:s0] =	ssyncset.done @!p0 $0x0  }
0x57: {  	[sflag:s0] =	ssyncadd.s32 @!p0 s1  }
0x58: {  	[bflag:$0x3] =	sbarrier.arrive $0xFFFF  }
0x59: {  	_ =	shalt  }

</sc_bundles>
